<compile_context>
chip_gen: v7x
topology: tpu7x:2x2x1
jax: 0.10.2.dev20260603
libtpu: 0.0.44.dev20260713+nightly
codegen_flags: <defaults>
</compile_context>

<pallas_src>
import functools

import jax
import jax.numpy as jnp
from jax import lax
from jax.experimental import pallas as pl
from jax.experimental.pallas import tpu as pltpu
from jax.experimental.pallas import tpu_sc as plsc

N = 10000
T = 8
F_IN = 128
H1 = 8
H2 = 16
D1 = T * H1
D2 = T * H2
NCORE = 2
NSUB = 16
NW = NCORE * NSUB
CHUNK = 128
NCHUNK = 80
EPW = NCHUNK * CHUNK
NPAD = 10240
RPW = NPAD // NSUB
BLK = 1000
NBLK = N // BLK

def _mesh():
    return plsc.VectorSubcoreMesh(
        core_axis_name="c", subcore_axis_name="s",
        num_cores=NCORE, num_subcores=NSUB,
    )



def _deg_body(srcd_hbm, dst_hbm, ones_hbm, zeros_hbm, out_hbm,
              idxs, idxd, ones_v, acc_a, acc_b):
    c = lax.axis_index("c")
    s = lax.axis_index("s")
    w = s * NCORE + c
    pltpu.sync_copy(srcd_hbm.at[w], idxs)
    pltpu.sync_copy(dst_hbm.at[w], idxd)
    pltpu.sync_copy(ones_hbm, ones_v)
    pltpu.sync_copy(zeros_hbm, acc_a.at[pl.ds(s * RPW, RPW)])
    pltpu.sync_copy(zeros_hbm, acc_b.at[pl.ds(s * RPW, RPW)])
    plsc.subcore_barrier()

    def body(j, carry):
        pltpu.sync_copy(ones_v, acc_a.at[idxs.at[j]], add=True)
        pltpu.sync_copy(ones_v, acc_b.at[idxd.at[j]], add=True)
        return carry

    lax.fori_loop(0, NCHUNK, body, 0)
    plsc.subcore_barrier()
    pltpu.sync_copy(acc_a.at[pl.ds(s * RPW, RPW)],
                    out_hbm.at[c, 0, pl.ds(s * RPW, RPW)])
    pltpu.sync_copy(acc_b.at[pl.ds(s * RPW, RPW)],
                    out_hbm.at[c, 1, pl.ds(s * RPW, RPW)])


@functools.cache
def _deg_call():
    return pl.kernel(
        _deg_body,
        out_type=jax.ShapeDtypeStruct((NCORE, 2, NPAD, 16), jnp.float32),
        mesh=_mesh(),
        scratch_types=[
            pltpu.VMEM((NCHUNK, CHUNK), jnp.int32),
            pltpu.VMEM((NCHUNK, CHUNK), jnp.int32),
            pltpu.VMEM((CHUNK, 16), jnp.float32),
            pltpu.VMEM_SHARED((NPAD, 16), jnp.float32),
            pltpu.VMEM_SHARED((NPAD, 16), jnp.float32),
        ],
        compiler_params=pltpu.CompilerParams(use_tc_tiling_on_sc=False),
    )



def _seg_body(srcg_hbm, dst_hbm, table_hbm, zeros_hbm, out_hbm,
              idxs, idxd, rows0, acc, sem0):
    c = lax.axis_index("c")
    s = lax.axis_index("s")
    w = s * NCORE + c
    pltpu.sync_copy(srcg_hbm.at[w], idxs)
    pltpu.sync_copy(dst_hbm.at[w], idxd)
    pltpu.sync_copy(zeros_hbm, acc.at[pl.ds(s * RPW, RPW)])
    plsc.subcore_barrier()

    def body(j, carry):
        pltpu.async_copy(table_hbm.at[idxs.at[j]], rows0, sem0).wait()
        pltpu.sync_copy(rows0, acc.at[idxd.at[j]], add=True)
        return carry

    lax.fori_loop(0, NCHUNK, body, 0)
    plsc.subcore_barrier()
    pltpu.sync_copy(acc.at[pl.ds(s * RPW, RPW)],
                    out_hbm.at[c, pl.ds(s * RPW, RPW)])


@functools.cache
def _seg_call(d):
    return pl.kernel(
        _seg_body,
        out_type=jax.ShapeDtypeStruct((NCORE, NPAD, d), jnp.float32),
        mesh=_mesh(),
        scratch_types=[
            pltpu.VMEM((NCHUNK, CHUNK), jnp.int32),
            pltpu.VMEM((NCHUNK, CHUNK), jnp.int32),
            pltpu.VMEM((CHUNK, d), jnp.float32),
            pltpu.VMEM_SHARED((NPAD, d), jnp.float32),
            pltpu.SemaphoreType.DMA,
        ],
        compiler_params=pltpu.CompilerParams(use_tc_tiling_on_sc=False),
    )



def _norm_from(deg2):
    return lax.rsqrt(jnp.maximum(deg2, 1.0))[:, 0:1]


def _mm1_body(x_ref, w1_ref, out_ref):
    w1 = w1_ref[...]
    parts = [jnp.dot(x_ref[t], w1, preferred_element_type=jnp.float32)
             for t in range(T)]
    out_ref[...] = jnp.concatenate(parts, axis=1)


def _scale_body(p_ref, deg_ref, out_ref):
    no = _norm_from(deg_ref[0, 0] + deg_ref[1, 0])
    out_ref[...] = p_ref[...] * no


def _mm2_body(m1_ref, deg_ref, b1_ref, w2_ref, out_ref):
    no = _norm_from(deg_ref[0, 0] + deg_ref[1, 0])
    ni = _norm_from(deg_ref[0, 1] + deg_ref[1, 1])
    m1 = m1_ref[0] + m1_ref[1]
    h1 = jnp.maximum(m1 * ni + b1_ref[...], 0.0) * no
    out_ref[...] = jnp.dot(h1, w2_ref[...], preferred_element_type=jnp.float32)


def _lstm_body(m2_ref, deg_ref, b2_ref, wih_ref, whh_ref, bg_ref,
               wout_ref, bo_ref, pool_ref, out_ref):
    ni = _norm_from(deg_ref[0, 1] + deg_ref[1, 1])
    m2 = m2_ref[0] + m2_ref[1]
    h2 = jnp.maximum(m2 * ni + b2_ref[...], 0.0)
    gx = jnp.dot(h2, wih_ref[...], preferred_element_type=jnp.float32)
    whh = whh_ref[...]
    bg = bg_ref[...]
    h = jnp.zeros((BLK, 8), jnp.float32)
    c = jnp.zeros((BLK, 8), jnp.float32)
    for t in range(T):
        g = (gx[:, 32 * t:32 * t + 32]
             + jnp.dot(h, whh, preferred_element_type=jnp.float32) + bg)
        i = jax.nn.sigmoid(g[:, 0:8])
        f = jax.nn.sigmoid(g[:, 8:16])
        gg = jnp.tanh(g[:, 16:24])
        o = jax.nn.sigmoid(g[:, 24:32])
        c = f * c + i * gg
        h = o * jnp.tanh(c)
    bmax = jnp.max(h, axis=0, keepdims=True)

    @pl.when(pl.program_id(0) == 0)
    def _():
        pool_ref[...] = bmax

    @pl.when(pl.program_id(0) > 0)
    def _():
        pool_ref[...] = jnp.maximum(pool_ref[...], bmax)

    @pl.when(pl.program_id(0) == NBLK - 1)
    def _():
        out_ref[...] = jax.nn.sigmoid(
            jnp.dot(pool_ref[...], wout_ref[...],
                    preferred_element_type=jnp.float32) + bo_ref[...])


_DEG_SPEC = pl.BlockSpec((NCORE, 2, BLK, 16), lambda n: (0, 0, n, 0))


_mm1_call = pl.pallas_call(
    _mm1_body,
    grid=(NBLK,),
    in_specs=[
        pl.BlockSpec((T, BLK, F_IN), lambda n: (0, n, 0)),
        pl.BlockSpec((F_IN, H1), lambda n: (0, 0)),
    ],
    out_specs=pl.BlockSpec((BLK, D1), lambda n: (n, 0)),
    out_shape=jax.ShapeDtypeStruct((N, D1), jnp.float32),
)

_scale_call = pl.pallas_call(
    _scale_body,
    grid=(NBLK,),
    in_specs=[
        pl.BlockSpec((BLK, D1), lambda n: (n, 0)),
        _DEG_SPEC,
    ],
    out_specs=pl.BlockSpec((BLK, D1), lambda n: (n, 0)),
    out_shape=jax.ShapeDtypeStruct((N, D1), jnp.float32),
)

_mm2_call = pl.pallas_call(
    _mm2_body,
    grid=(NBLK,),
    in_specs=[
        pl.BlockSpec((NCORE, BLK, D1), lambda n: (0, n, 0)),
        _DEG_SPEC,
        pl.BlockSpec((1, D1), lambda n: (0, 0)),
        pl.BlockSpec((D1, D2), lambda n: (0, 0)),
    ],
    out_specs=pl.BlockSpec((BLK, D2), lambda n: (n, 0)),
    out_shape=jax.ShapeDtypeStruct((N, D2), jnp.float32),
)

_lstm_call = pl.pallas_call(
    _lstm_body,
    grid=(NBLK,),
    in_specs=[
        pl.BlockSpec((NCORE, BLK, D2), lambda n: (0, n, 0)),
        _DEG_SPEC,
        pl.BlockSpec((1, D2), lambda n: (0, 0)),
        pl.BlockSpec((D2, 32 * T), lambda n: (0, 0)),
        pl.BlockSpec((8, 32), lambda n: (0, 0)),
        pl.BlockSpec((1, 32), lambda n: (0, 0)),
        pl.BlockSpec((8, 4), lambda n: (0, 0)),
        pl.BlockSpec((1, 4), lambda n: (0, 0)),
    ],
    out_specs=[
        pl.BlockSpec((1, 8), lambda n: (0, 0)),
        pl.BlockSpec((1, 4), lambda n: (0, 0)),
    ],
    out_shape=[
        jax.ShapeDtypeStruct((1, 8), jnp.float32),
        jax.ShapeDtypeStruct((1, 4), jnp.float32),
    ],
)


def _prep_indices(edge_index):
    src = edge_index[0]
    dst = edge_index[1]
    e = src.shape[0]
    pad = NW * EPW - e
    k = jnp.arange(pad, dtype=jnp.int32)
    trash = N + k % (NPAD - N)
    srcg = jnp.concatenate([src, k % 4096])
    srcd = jnp.concatenate([src, trash])
    dst3 = jnp.concatenate([dst, trash])
    srcg = srcg.reshape(NW, NCHUNK, CHUNK)
    srcd = srcd.reshape(NW, NCHUNK, CHUNK)
    dst3 = dst3.reshape(NW, NCHUNK, CHUNK)
    return srcg, srcd, dst3


@jax.jit
def kernel(x, edge_index, W1, b1, W2, b2, W_ih, W_hh, b_ih, b_hh,
           W_out, b_out):
    srcg, srcd, dst3 = _prep_indices(edge_index)

    ones16 = jnp.ones((CHUNK, 16), jnp.float32)
    zeros16 = jnp.zeros((RPW, 16), jnp.float32)
    zeros64 = jnp.zeros((RPW, D1), jnp.float32)
    zeros128 = jnp.zeros((RPW, D2), jnp.float32)

    degp = _deg_call()(srcd, dst3, ones16, zeros16)
    p1u = _mm1_call(x, W1)
    p1s = _scale_call(p1u, degp)
    m1p = _seg_call(D1)(srcg, dst3, p1s, zeros64)
    w2big = jnp.kron(jnp.eye(T, dtype=jnp.float32), W2)
    p2s = _mm2_call(m1p, degp, jnp.tile(b1, T)[None], w2big)
    m2p = _seg_call(D2)(srcg, dst3, p2s, zeros128)
    _, out = _lstm_call(m2p, degp, jnp.tile(b2, T)[None],
                        jnp.kron(jnp.eye(T, dtype=jnp.float32), W_ih.T),
                        W_hh.T, (b_ih + b_hh)[None],
                        W_out.T, b_out[None])
    return out

# --- scband reference (transcript-rebuilt; emitter-appended) ---
"""Pipeline reference for scband-gconv-net-26310969655870 (READ-ONLY COPY).

The authoritative reference and input builder live on the scoring server;
editing this copy changes nothing except your own understanding.
"""

import jax, jax.numpy as jnp
import numpy as np

WINDOWS = 8
N_NODES = 10000
N_EDGES = 320000
F_IN = 128
H1 = 8
H2 = 16
LSTM_H = 8
OUT_DIM = 4


def setup_inputs(seed: int = 0) -> dict:
    key = jax.random.key(seed)
    ks = jax.random.split(key, 12)
    x = jax.random.normal(ks[0], (WINDOWS, N_NODES, F_IN), dtype=jnp.float32)
    edge_index = jax.random.randint(ks[1], (2, N_EDGES), 0, N_NODES, dtype=jnp.int32)
    W1 = jax.random.normal(ks[2], (F_IN, H1), dtype=jnp.float32) / np.sqrt(F_IN)
    b1 = jnp.zeros((H1,), dtype=jnp.float32)
    W2 = jax.random.normal(ks[3], (H1, H2), dtype=jnp.float32) / np.sqrt(H1)
    b2 = jnp.zeros((H2,), dtype=jnp.float32)
    W_ih = jax.random.normal(ks[4], (4 * LSTM_H, H2), dtype=jnp.float32) / np.sqrt(H2)
    W_hh = jax.random.normal(ks[5], (4 * LSTM_H, LSTM_H), dtype=jnp.float32) / np.sqrt(LSTM_H)
    b_ih = jnp.zeros((4 * LSTM_H,), dtype=jnp.float32)
    b_hh = jnp.zeros((4 * LSTM_H,), dtype=jnp.float32)
    W_out = jax.random.normal(ks[6], (OUT_DIM, LSTM_H), dtype=jnp.float32) / np.sqrt(LSTM_H)
    b_out = jnp.zeros((OUT_DIM,), dtype=jnp.float32)
    return {"x": x, "edge_index": edge_index, "W1": W1, "b1": b1, "W2": W2,
            "b2": b2, "W_ih": W_ih, "W_hh": W_hh, "b_ih": b_ih, "b_hh": b_hh,
            "W_out": W_out, "b_out": b_out}


def _gconv(h, src, dst, W, b):
    # DGL GraphConv with norm='both': D_in^{-1/2} A D_out^{-1/2} X W + b
    n = h.shape[0]
    deg_out = jnp.zeros((n,), h.dtype).at[src].add(1.0)
    deg_in = jnp.zeros((n,), h.dtype).at[dst].add(1.0)
    norm_out = jnp.power(jnp.clip(deg_out, 1.0, None), -0.5)
    norm_in = jnp.power(jnp.clip(deg_in, 1.0, None), -0.5)
    h = h * norm_out[:, None]
    h = h @ W
    m = jnp.zeros((n, W.shape[1]), h.dtype).at[dst].add(h[src])
    return m * norm_in[:, None] + b


def reference(x, edge_index, W1, b1, W2, b2, W_ih, W_hh, b_ih, b_hh, W_out, b_out):
    src = edge_index[0]
    dst = edge_index[1]
    convs = []
    for t in range(x.shape[0]):
        h = jax.nn.relu(_gconv(x[t], src, dst, W1, b1))
        h = jax.nn.relu(_gconv(h, src, dst, W2, b2))
        convs.append(h)
    seq = jnp.stack(convs)  # [T, N, H2]

    def step(carry, xt):
        h, c = carry
        gates = xt @ W_ih.T + h @ W_hh.T + b_ih + b_hh
        i, f, g, o = jnp.split(gates, 4, axis=-1)
        i = jax.nn.sigmoid(i)
        f = jax.nn.sigmoid(f)
        g = jnp.tanh(g)
        o = jax.nn.sigmoid(o)
        c = f * c + i * g
        h = o * jnp.tanh(c)
        return (h, c), h

    h0 = jnp.zeros((seq.shape[1], LSTM_H), seq.dtype)
    c0 = jnp.zeros((seq.shape[1], LSTM_H), seq.dtype)
    (_, _), outs = jax.lax.scan(step, (h0, c0), seq)
    last = outs[-1]  # [N, LSTM_H]
    # dgl.max_nodes over a single (unbatched) graph -> [1, LSTM_H]
    pooled = jnp.max(last, axis=0, keepdims=True)
    return jax.nn.sigmoid(pooled @ W_out.T + b_out)

if __name__ == "__main__":
    import jax
    _d = setup_inputs()
    print(jax.jit(kernel)(*tuple(_d.values())))

</pallas_src>

<mosaic_0001>
#map = affine_map<(d0, d1) -> (0, 0, 0)>
#map1 = affine_map<(d0, d1) -> (0, 0)>
#map2 = affine_map<(d0, d1) -> (0, 0, 0, 0)>
module attributes {stable_mosaic.version = 14 : i64} {
  func.func @_deg_body(%arg0: i32, %arg1: i32, %arg2: memref<32x80x128xi32, #tpu.memory_space<hbm>>, %arg3: memref<32x80x128xi32, #tpu.memory_space<hbm>>, %arg4: memref<128x16xf32, #tpu.memory_space<hbm>>, %arg5: memref<640x16xf32, #tpu.memory_space<hbm>>, %arg6: memref<2x2x10240x16xf32, #tpu.memory_space<hbm>>, %arg7: memref<80x128xi32, #tpu.memory_space<vmem>>, %arg8: memref<80x128xi32, #tpu.memory_space<vmem>>, %arg9: memref<128x16xf32, #tpu.memory_space<vmem>>, %arg10: memref<10240x16xf32, #tpu.memory_space<vmem_shared>>, %arg11: memref<10240x16xf32, #tpu.memory_space<vmem_shared>>) attributes {dimension_semantics = [#tpu.dimension_semantics<core_parallel>, #tpu.dimension_semantics<subcore_parallel>], iteration_bounds = array<i64: 2, 16>, scalar_prefetch = 0 : i64, scratch_operands = 5 : i64, tpu.core_type = #tpu.core_type<sc_vector_subcore>, window_params = [{transform_indices = #map}, {transform_indices = #map}, {transform_indices = #map1}, {transform_indices = #map1}, {transform_indices = #map2}]} {
    %mul3A = arith.constant 2 : i32
    %mul3A_0 = arith.muli %arg1, %mul3A : i32
    %add3A = arith.addi %mul3A_0, %arg0 : i32
    "tpu.region"() ({
      %run_scoped3A_20 = tpu.sem_alloc : memref<!tpu.dma_semaphore, #tpu.memory_space<semaphore_mem>>
      %dma_start3A = arith.constant 0 : i32
      %dma_start3A_21 = arith.constant 0 : i32
      %dma_start3A_22 = tpu.memref_slice %arg2[%add3A, %dma_start3A, %dma_start3A_21] : memref<32x80x128xi32, #tpu.memory_space<hbm>> -> memref<1x80x128xi32, #tpu.memory_space<hbm>>
      %dma_start3A_23 = tpu.memref_squeeze %dma_start3A_22 : memref<1x80x128xi32, #tpu.memory_space<hbm>> -> memref<80x128xi32, #tpu.memory_space<hbm>>
      %dma_start3A_24 = arith.constant 0 : i32
      %dma_start3A_25 = arith.constant 0 : i32
      %dma_start3A_26 = tpu.memref_slice %arg2[%add3A, %dma_start3A_24, %dma_start3A_25] : memref<32x80x128xi32, #tpu.memory_space<hbm>> -> memref<1x80x128xi32, #tpu.memory_space<hbm>>
      %dma_start3A_27 = tpu.memref_squeeze %dma_start3A_26 : memref<1x80x128xi32, #tpu.memory_space<hbm>> -> memref<80x128xi32, #tpu.memory_space<hbm>>
      tpu.enqueue_dma source(%dma_start3A_27 : memref<80x128xi32, #tpu.memory_space<hbm>>) target(%arg7 : memref<80x128xi32, #tpu.memory_space<vmem>>) target_semaphore(%run_scoped3A_20 : memref<!tpu.dma_semaphore, #tpu.memory_space<semaphore_mem>>)
      %dma_wait3A = arith.constant 0 : i32
      %dma_wait3A_28 = arith.constant 0 : i32
      %dma_wait3A_29 = tpu.memref_slice %arg2[%add3A, %dma_wait3A, %dma_wait3A_28] : memref<32x80x128xi32, #tpu.memory_space<hbm>> -> memref<1x80x128xi32, #tpu.memory_space<hbm>>
      %dma_wait3A_30 = tpu.memref_squeeze %dma_wait3A_29 : memref<1x80x128xi32, #tpu.memory_space<hbm>> -> memref<80x128xi32, #tpu.memory_space<hbm>>
      %dma_wait3A_31 = arith.constant 0 : i32
      %dma_wait3A_32 = arith.constant 0 : i32
      %dma_wait3A_33 = tpu.memref_slice %arg2[%add3A, %dma_wait3A_31, %dma_wait3A_32] : memref<32x80x128xi32, #tpu.memory_space<hbm>> -> memref<1x80x128xi32, #tpu.memory_space<hbm>>
      %dma_wait3A_34 = tpu.memref_squeeze %dma_wait3A_33 : memref<1x80x128xi32, #tpu.memory_space<hbm>> -> memref<80x128xi32, #tpu.memory_space<hbm>>
      tpu.wait_dma2 semaphore(%run_scoped3A_20 : memref<!tpu.dma_semaphore, #tpu.memory_space<semaphore_mem>>) src(%dma_wait3A_34 : memref<80x128xi32, #tpu.memory_space<hbm>>) dst(%arg7 : memref<80x128xi32, #tpu.memory_space<vmem>>)
      tpu.yield
    }) : () -> ()
    "tpu.region"() ({
      %run_scoped3A_20 = tpu.sem_alloc : memref<!tpu.dma_semaphore, #tpu.memory_space<semaphore_mem>>
      %dma_start3A = arith.constant 0 : i32
      %dma_start3A_21 = arith.constant 0 : i32
      %dma_start3A_22 = tpu.memref_slice %arg3[%add3A, %dma_start3A, %dma_start3A_21] : memref<32x80x128xi32, #tpu.memory_space<hbm>> -> memref<1x80x128xi32, #tpu.memory_space<hbm>>
      %dma_start3A_23 = tpu.memref_squeeze %dma_start3A_22 : memref<1x80x128xi32, #tpu.memory_space<hbm>> -> memref<80x128xi32, #tpu.memory_space<hbm>>
      %dma_start3A_24 = arith.constant 0 : i32
      %dma_start3A_25 = arith.constant 0 : i32
      %dma_start3A_26 = tpu.memref_slice %arg3[%add3A, %dma_start3A_24, %dma_start3A_25] : memref<32x80x128xi32, #tpu.memory_space<hbm>> -> memref<1x80x128xi32, #tpu.memory_space<hbm>>
      %dma_start3A_27 = tpu.memref_squeeze %dma_start3A_26 : memref<1x80x128xi32, #tpu.memory_space<hbm>> -> memref<80x128xi32, #tpu.memory_space<hbm>>
      tpu.enqueue_dma source(%dma_start3A_27 : memref<80x128xi32, #tpu.memory_space<hbm>>) target(%arg8 : memref<80x128xi32, #tpu.memory_space<vmem>>) target_semaphore(%run_scoped3A_20 : memref<!tpu.dma_semaphore, #tpu.memory_space<semaphore_mem>>)
      %dma_wait3A = arith.constant 0 : i32
      %dma_wait3A_28 = arith.constant 0 : i32
      %dma_wait3A_29 = tpu.memref_slice %arg3[%add3A, %dma_wait3A, %dma_wait3A_28] : memref<32x80x128xi32, #tpu.memory_space<hbm>> -> memref<1x80x128xi32, #tpu.memory_space<hbm>>
      %dma_wait3A_30 = tpu.memref_squeeze %dma_wait3A_29 : memref<1x80x128xi32, #tpu.memory_space<hbm>> -> memref<80x128xi32, #tpu.memory_space<hbm>>
      %dma_wait3A_31 = arith.constant 0 : i32
      %dma_wait3A_32 = arith.constant 0 : i32
      %dma_wait3A_33 = tpu.memref_slice %arg3[%add3A, %dma_wait3A_31, %dma_wait3A_32] : memref<32x80x128xi32, #tpu.memory_space<hbm>> -> memref<1x80x128xi32, #tpu.memory_space<hbm>>
      %dma_wait3A_34 = tpu.memref_squeeze %dma_wait3A_33 : memref<1x80x128xi32, #tpu.memory_space<hbm>> -> memref<80x128xi32, #tpu.memory_space<hbm>>
      tpu.wait_dma2 semaphore(%run_scoped3A_20 : memref<!tpu.dma_semaphore, #tpu.memory_space<semaphore_mem>>) src(%dma_wait3A_34 : memref<80x128xi32, #tpu.memory_space<hbm>>) dst(%arg8 : memref<80x128xi32, #tpu.memory_space<vmem>>)
      tpu.yield
    }) : () -> ()
    "tpu.region"() ({
      %run_scoped3A_20 = tpu.sem_alloc : memref<!tpu.dma_semaphore, #tpu.memory_space<semaphore_mem>>
      tpu.enqueue_dma source(%arg4 : memref<128x16xf32, #tpu.memory_space<hbm>>) target(%arg9 : memref<128x16xf32, #tpu.memory_space<vmem>>) target_semaphore(%run_scoped3A_20 : memref<!tpu.dma_semaphore, #tpu.memory_space<semaphore_mem>>)
      tpu.wait_dma2 semaphore(%run_scoped3A_20 : memref<!tpu.dma_semaphore, #tpu.memory_space<semaphore_mem>>) src(%arg4 : memref<128x16xf32, #tpu.memory_space<hbm>>) dst(%arg9 : memref<128x16xf32, #tpu.memory_space<vmem>>)
      tpu.yield
    }) : () -> ()
    %mul3A_1 = arith.constant 640 : i32
    %mul3A_2 = arith.muli %arg1, %mul3A_1 : i32
    "tpu.region"() ({
      %run_scoped3A_20 = tpu.sem_alloc : memref<!tpu.dma_semaphore, #tpu.memory_space<semaphore_mem>>
      %dma_start3A = arith.constant 0 : i32
      %dma_start3A_21 = tpu.memref_slice %arg10[%mul3A_2, %dma_start3A] : memref<10240x16xf32, #tpu.memory_space<vmem_shared>> -> memref<640x16xf32, #tpu.memory_space<vmem_shared>>
      tpu.enqueue_dma source(%arg5 : memref<640x16xf32, #tpu.memory_space<hbm>>) target(%dma_start3A_21 : memref<640x16xf32, #tpu.memory_space<vmem_shared>>) target_semaphore(%run_scoped3A_20 : memref<!tpu.dma_semaphore, #tpu.memory_space<semaphore_mem>>)
      %dma_wait3A = arith.constant 0 : i32
      %dma_wait3A_22 = tpu.memref_slice %arg10[%mul3A_2, %dma_wait3A] : memref<10240x16xf32, #tpu.memory_space<vmem_shared>> -> memref<640x16xf32, #tpu.memory_space<vmem_shared>>
      tpu.wait_dma2 semaphore(%run_scoped3A_20 : memref<!tpu.dma_semaphore, #tpu.memory_space<semaphore_mem>>) src(%arg5 : memref<640x16xf32, #tpu.memory_space<hbm>>) dst(%dma_wait3A_22 : memref<640x16xf32, #tpu.memory_space<vmem_shared>>)
      tpu.yield
    }) : () -> ()
    %mul3A_3 = arith.constant 640 : i32
    %mul3A_4 = arith.muli %arg1, %mul3A_3 : i32
    "tpu.region"() ({
      %run_scoped3A_20 = tpu.sem_alloc : memref<!tpu.dma_semaphore, #tpu.memory_space<semaphore_mem>>
      %dma_start3A = arith.constant 0 : i32
      %dma_start3A_21 = tpu.memref_slice %arg11[%mul3A_4, %dma_start3A] : memref<10240x16xf32, #tpu.memory_space<vmem_shared>> -> memref<640x16xf32, #tpu.memory_space<vmem_shared>>
      tpu.enqueue_dma source(%arg5 : memref<640x16xf32, #tpu.memory_space<hbm>>) target(%dma_start3A_21 : memref<640x16xf32, #tpu.memory_space<vmem_shared>>) target_semaphore(%run_scoped3A_20 : memref<!tpu.dma_semaphore, #tpu.memory_space<semaphore_mem>>)
      %dma_wait3A = arith.constant 0 : i32
      %dma_wait3A_22 = tpu.memref_slice %arg11[%mul3A_4, %dma_wait3A] : memref<10240x16xf32, #tpu.memory_space<vmem_shared>> -> memref<640x16xf32, #tpu.memory_space<vmem_shared>>
      tpu.wait_dma2 semaphore(%run_scoped3A_20 : memref<!tpu.dma_semaphore, #tpu.memory_space<semaphore_mem>>) src(%arg5 : memref<640x16xf32, #tpu.memory_space<hbm>>) dst(%dma_wait3A_22 : memref<640x16xf32, #tpu.memory_space<vmem_shared>>)
      tpu.yield
    }) : () -> ()
    %barrier3A = arith.constant 0 : index
    tpu.barrier barrier_id(%barrier3A)
    %scan3A = arith.constant 0 : i32
    %scan3A_5 = arith.constant 0 : i32
    %scan3A_6 = arith.constant 80 : i32
    %scan3A_7 = arith.addi %scan3A_5, %scan3A_6 : i32
    %scan3A_8 = arith.constant 1 : i32
    scf.for %scan3A_20 = %scan3A_5 to %scan3A_7 step %scan3A_8  : i32 {
      "tpu.region"() ({
        %run_scoped3A_21 = tpu.sem_alloc : memref<!tpu.dma_semaphore, #tpu.memory_space<semaphore_mem>>
        %dma_start3A = arith.constant 0 : i32
        %dma_start3A_22 = tpu.memref_slice %arg7[%scan3A_20, %dma_start3A] : memref<80x128xi32, #tpu.memory_space<vmem>> -> memref<1x128xi32, #tpu.memory_space<vmem>>
        %dma_start3A_23 = tpu.memref_squeeze %dma_start3A_22 : memref<1x128xi32, #tpu.memory_space<vmem>> -> memref<128xi32, #tpu.memory_space<vmem>>
        %dma_start3A_24 = arith.constant 0 : i32
        %dma_start3A_25 = arith.constant 0 : i32
        %dma_start3A_26 = tpu.memref_slice %arg10[%dma_start3A_24, %dma_start3A_25] : memref<10240x16xf32, #tpu.memory_space<vmem_shared>> -> memref<10240x16xf32, #tpu.memory_space<vmem_shared>>
        tpu.enqueue_indirect_dma source(%arg9 : memref<128x16xf32, #tpu.memory_space<vmem>>) target(%dma_start3A_26 : memref<10240x16xf32, #tpu.memory_space<vmem_shared>>) offsets(%dma_start3A_23 : memref<128xi32, #tpu.memory_space<vmem>>) semaphore(%run_scoped3A_21 : memref<!tpu.dma_semaphore, #tpu.memory_space<semaphore_mem>>) {add = true}
        %dma_wait3A = arith.constant 0 : i32
        %dma_wait3A_27 = tpu.memref_slice %arg7[%scan3A_20, %dma_wait3A] : memref<80x128xi32, #tpu.memory_space<vmem>> -> memref<1x128xi32, #tpu.memory_space<vmem>>
        %dma_wait3A_28 = tpu.memref_squeeze %dma_wait3A_27 : memref<1x128xi32, #tpu.memory_space<vmem>> -> memref<128xi32, #tpu.memory_space<vmem>>
        %dma_wait3A_29 = arith.constant 0 : i32
        %dma_wait3A_30 = arith.constant 0 : i32
        %dma_wait3A_31 = tpu.memref_slice %arg10[%dma_wait3A_29, %dma_wait3A_30] : memref<10240x16xf32, #tpu.memory_space<vmem_shared>> -> memref<10240x16xf32, #tpu.memory_space<vmem_shared>>
        tpu.wait_indirect_dma semaphore(%run_scoped3A_21 : memref<!tpu.dma_semaphore, #tpu.memory_space<semaphore_mem>>) src(%arg9 : memref<128x16xf32, #tpu.memory_space<vmem>>) dst(%dma_wait3A_31 : memref<10240x16xf32, #tpu.memory_space<vmem_shared>>)
        tpu.yield
      }) : () -> ()
      "tpu.region"() ({
        %run_scoped3A_21 = tpu.sem_alloc : memref<!tpu.dma_semaphore, #tpu.memory_space<semaphore_mem>>
        %dma_start3A = arith.constant 0 : i32
        %dma_start3A_22 = tpu.memref_slice %arg8[%scan3A_20, %dma_start3A] : memref<80x128xi32, #tpu.memory_space<vmem>> -> memref<1x128xi32, #tpu.memory_space<vmem>>
        %dma_start3A_23 = tpu.memref_squeeze %dma_start3A_22 : memref<1x128xi32, #tpu.memory_space<vmem>> -> memref<128xi32, #tpu.memory_space<vmem>>
        %dma_start3A_24 = arith.constant 0 : i32
        %dma_start3A_25 = arith.constant 0 : i32
        %dma_start3A_26 = tpu.memref_slice %arg11[%dma_start3A_24, %dma_start3A_25] : memref<10240x16xf32, #tpu.memory_space<vmem_shared>> -> memref<10240x16xf32, #tpu.memory_space<vmem_shared>>
        tpu.enqueue_indirect_dma source(%arg9 : memref<128x16xf32, #tpu.memory_space<vmem>>) target(%dma_start3A_26 : memref<10240x16xf32, #tpu.memory_space<vmem_shared>>) offsets(%dma_start3A_23 : memref<128xi32, #tpu.memory_space<vmem>>) semaphore(%run_scoped3A_21 : memref<!tpu.dma_semaphore, #tpu.memory_space<semaphore_mem>>) {add = true}
        %dma_wait3A = arith.constant 0 : i32
        %dma_wait3A_27 = tpu.memref_slice %arg8[%scan3A_20, %dma_wait3A] : memref<80x128xi32, #tpu.memory_space<vmem>> -> memref<1x128xi32, #tpu.memory_space<vmem>>
        %dma_wait3A_28 = tpu.memref_squeeze %dma_wait3A_27 : memref<1x128xi32, #tpu.memory_space<vmem>> -> memref<128xi32, #tpu.memory_space<vmem>>
        %dma_wait3A_29 = arith.constant 0 : i32
        %dma_wait3A_30 = arith.constant 0 : i32
        %dma_wait3A_31 = tpu.memref_slice %arg11[%dma_wait3A_29, %dma_wait3A_30] : memref<10240x16xf32, #tpu.memory_space<vmem_shared>> -> memref<10240x16xf32, #tpu.memory_space<vmem_shared>>
        tpu.wait_indirect_dma semaphore(%run_scoped3A_21 : memref<!tpu.dma_semaphore, #tpu.memory_space<semaphore_mem>>) src(%arg9 : memref<128x16xf32, #tpu.memory_space<vmem>>) dst(%dma_wait3A_31 : memref<10240x16xf32, #tpu.memory_space<vmem_shared>>)
        tpu.yield
      }) : () -> ()
    }
    %scan3A_9 = arith.constant 80 : i32
    %barrier3A_10 = arith.constant 0 : index
    tpu.barrier barrier_id(%barrier3A_10)
    %mul3A_11 = arith.constant 640 : i32
    %mul3A_12 = arith.muli %arg1, %mul3A_11 : i32
    %mul3A_13 = arith.constant 640 : i32
    %mul3A_14 = arith.muli %arg1, %mul3A_13 : i32
    %run_scoped3A = arith.constant 0 : i32
    "tpu.region"() ({
      %run_scoped3A_20 = tpu.sem_alloc : memref<!tpu.dma_semaphore, #tpu.memory_space<semaphore_mem>>
      %dma_start3A = arith.constant 0 : i32
      %dma_start3A_21 = tpu.memref_slice %arg6[%arg0, %run_scoped3A, %mul3A_14, %dma_start3A] : memref<2x2x10240x16xf32, #tpu.memory_space<hbm>> -> memref<1x1x640x16xf32, #tpu.memory_space<hbm>>
      %dma_start3A_22 = tpu.memref_squeeze %dma_start3A_21 : memref<1x1x640x16xf32, #tpu.memory_space<hbm>> -> memref<640x16xf32, #tpu.memory_space<hbm>>
      %dma_start3A_23 = arith.constant 0 : i32
      %dma_start3A_24 = tpu.memref_slice %arg10[%mul3A_12, %dma_start3A_23] : memref<10240x16xf32, #tpu.memory_space<vmem_shared>> -> memref<640x16xf32, #tpu.memory_space<vmem_shared>>
      tpu.enqueue_dma source(%dma_start3A_24 : memref<640x16xf32, #tpu.memory_space<vmem_shared>>) target(%dma_start3A_22 : memref<640x16xf32, #tpu.memory_space<hbm>>) target_semaphore(%run_scoped3A_20 : memref<!tpu.dma_semaphore, #tpu.memory_space<semaphore_mem>>)
      %dma_wait3A = arith.constant 0 : i32
      %dma_wait3A_25 = tpu.memref_slice %arg6[%arg0, %run_scoped3A, %mul3A_14, %dma_wait3A] : memref<2x2x10240x16xf32, #tpu.memory_space<hbm>> -> memref<1x1x640x16xf32, #tpu.memory_space<hbm>>
      %dma_wait3A_26 = tpu.memref_squeeze %dma_wait3A_25 : memref<1x1x640x16xf32, #tpu.memory_space<hbm>> -> memref<640x16xf32, #tpu.memory_space<hbm>>
      %dma_wait3A_27 = arith.constant 0 : i32
      %dma_wait3A_28 = tpu.memref_slice %arg10[%mul3A_12, %dma_wait3A_27] : memref<10240x16xf32, #tpu.memory_space<vmem_shared>> -> memref<640x16xf32, #tpu.memory_space<vmem_shared>>
      tpu.wait_dma2 semaphore(%run_scoped3A_20 : memref<!tpu.dma_semaphore, #tpu.memory_space<semaphore_mem>>) src(%dma_wait3A_28 : memref<640x16xf32, #tpu.memory_space<vmem_shared>>) dst(%dma_wait3A_26 : memref<640x16xf32, #tpu.memory_space<hbm>>)
      tpu.yield
    }) : () -> ()
    %mul3A_15 = arith.constant 640 : i32
    %mul3A_16 = arith.muli %arg1, %mul3A_15 : i32
    %mul3A_17 = arith.constant 640 : i32
    %mul3A_18 = arith.muli %arg1, %mul3A_17 : i32
    %run_scoped3A_19 = arith.constant 1 : i32
    "tpu.region"() ({
      %run_scoped3A_20 = tpu.sem_alloc : memref<!tpu.dma_semaphore, #tpu.memory_space<semaphore_mem>>
      %dma_start3A = arith.constant 0 : i32
      %dma_start3A_21 = tpu.memref_slice %arg6[%arg0, %run_scoped3A_19, %mul3A_18, %dma_start3A] : memref<2x2x10240x16xf32, #tpu.memory_space<hbm>> -> memref<1x1x640x16xf32, #tpu.memory_space<hbm>>
      %dma_start3A_22 = tpu.memref_squeeze %dma_start3A_21 : memref<1x1x640x16xf32, #tpu.memory_space<hbm>> -> memref<640x16xf32, #tpu.memory_space<hbm>>
      %dma_start3A_23 = arith.constant 0 : i32
      %dma_start3A_24 = tpu.memref_slice %arg11[%mul3A_16, %dma_start3A_23] : memref<10240x16xf32, #tpu.memory_space<vmem_shared>> -> memref<640x16xf32, #tpu.memory_space<vmem_shared>>
      tpu.enqueue_dma source(%dma_start3A_24 : memref<640x16xf32, #tpu.memory_space<vmem_shared>>) target(%dma_start3A_22 : memref<640x16xf32, #tpu.memory_space<hbm>>) target_semaphore(%run_scoped3A_20 : memref<!tpu.dma_semaphore, #tpu.memory_space<semaphore_mem>>)
      %dma_wait3A = arith.constant 0 : i32
      %dma_wait3A_25 = tpu.memref_slice %arg6[%arg0, %run_scoped3A_19, %mul3A_18, %dma_wait3A] : memref<2x2x10240x16xf32, #tpu.memory_space<hbm>> -> memref<1x1x640x16xf32, #tpu.memory_space<hbm>>
      %dma_wait3A_26 = tpu.memref_squeeze %dma_wait3A_25 : memref<1x1x640x16xf32, #tpu.memory_space<hbm>> -> memref<640x16xf32, #tpu.memory_space<hbm>>
      %dma_wait3A_27 = arith.constant 0 : i32
      %dma_wait3A_28 = tpu.memref_slice %arg11[%mul3A_16, %dma_wait3A_27] : memref<10240x16xf32, #tpu.memory_space<vmem_shared>> -> memref<640x16xf32, #tpu.memory_space<vmem_shared>>
      tpu.wait_dma2 semaphore(%run_scoped3A_20 : memref<!tpu.dma_semaphore, #tpu.memory_space<semaphore_mem>>) src(%dma_wait3A_28 : memref<640x16xf32, #tpu.memory_space<vmem_shared>>) dst(%dma_wait3A_26 : memref<640x16xf32, #tpu.memory_space<hbm>>)
      tpu.yield
    }) : () -> ()
    return
  }
}

#map = affine_map<(d0, d1) -> (0, 0, 0)>
#map1 = affine_map<(d0, d1) -> (0, 0)>
module attributes {stable_mosaic.version = 14 : i64} {
  func.func @_seg_body(%arg0: i32, %arg1: i32, %arg2: memref<32x80x128xi32, #tpu.memory_space<hbm>>, %arg3: memref<32x80x128xi32, #tpu.memory_space<hbm>>, %arg4: memref<10000x64xf32, #tpu.memory_space<hbm>>, %arg5: memref<640x64xf32, #tpu.memory_space<hbm>>, %arg6: memref<2x10240x64xf32, #tpu.memory_space<hbm>>, %arg7: memref<80x128xi32, #tpu.memory_space<vmem>>, %arg8: memref<80x128xi32, #tpu.memory_space<vmem>>, %arg9: memref<128x64xf32, #tpu.memory_space<vmem>>, %arg10: memref<10240x64xf32, #tpu.memory_space<vmem_shared>>, %arg11: memref<!tpu.dma_semaphore, #tpu.memory_space<semaphore_mem>>) attributes {dimension_semantics = [#tpu.dimension_semantics<core_parallel>, #tpu.dimension_semantics<subcore_parallel>], iteration_bounds = array<i64: 2, 16>, scalar_prefetch = 0 : i64, scratch_operands = 5 : i64, tpu.core_type = #tpu.core_type<sc_vector_subcore>, window_params = [{transform_indices = #map}, {transform_indices = #map}, {transform_indices = #map1}, {transform_indices = #map1}, {transform_indices = #map}]} {
    %mul3A = arith.constant 2 : i32
    %mul3A_0 = arith.muli %arg1, %mul3A : i32
    %add3A = arith.addi %mul3A_0, %arg0 : i32
    "tpu.region"() ({
      %run_scoped3A = tpu.sem_alloc : memref<!tpu.dma_semaphore, #tpu.memory_space<semaphore_mem>>
      %dma_start3A = arith.constant 0 : i32
      %dma_start3A_13 = arith.constant 0 : i32
      %dma_start3A_14 = tpu.memref_slice %arg2[%add3A, %dma_start3A, %dma_start3A_13] : memref<32x80x128xi32, #tpu.memory_space<hbm>> -> memref<1x80x128xi32, #tpu.memory_space<hbm>>
      %dma_start3A_15 = tpu.memref_squeeze %dma_start3A_14 : memref<1x80x128xi32, #tpu.memory_space<hbm>> -> memref<80x128xi32, #tpu.memory_space<hbm>>
      %dma_start3A_16 = arith.constant 0 : i32
      %dma_start3A_17 = arith.constant 0 : i32
      %dma_start3A_18 = tpu.memref_slice %arg2[%add3A, %dma_start3A_16, %dma_start3A_17] : memref<32x80x128xi32, #tpu.memory_space<hbm>> -> memref<1x80x128xi32, #tpu.memory_space<hbm>>
      %dma_start3A_19 = tpu.memref_squeeze %dma_start3A_18 : memref<1x80x128xi32, #tpu.memory_space<hbm>> -> memref<80x128xi32, #tpu.memory_space<hbm>>
      tpu.enqueue_dma source(%dma_start3A_19 : memref<80x128xi32, #tpu.memory_space<hbm>>) target(%arg7 : memref<80x128xi32, #tpu.memory_space<vmem>>) target_semaphore(%run_scoped3A : memref<!tpu.dma_semaphore, #tpu.memory_space<semaphore_mem>>)
      %dma_wait3A = arith.constant 0 : i32
      %dma_wait3A_20 = arith.constant 0 : i32
      %dma_wait3A_21 = tpu.memref_slice %arg2[%add3A, %dma_wait3A, %dma_wait3A_20] : memref<32x80x128xi32, #tpu.memory_space<hbm>> -> memref<1x80x128xi32, #tpu.memory_space<hbm>>
      %dma_wait3A_22 = tpu.memref_squeeze %dma_wait3A_21 : memref<1x80x128xi32, #tpu.memory_space<hbm>> -> memref<80x128xi32, #tpu.memory_space<hbm>>
      %dma_wait3A_23 = arith.constant 0 : i32
      %dma_wait3A_24 = arith.constant 0 : i32
      %dma_wait3A_25 = tpu.memref_slice %arg2[%add3A, %dma_wait3A_23, %dma_wait3A_24] : memref<32x80x128xi32, #tpu.memory_space<hbm>> -> memref<1x80x128xi32, #tpu.memory_space<hbm>>
      %dma_wait3A_26 = tpu.memref_squeeze %dma_wait3A_25 : memref<1x80x128xi32, #tpu.memory_space<hbm>> -> memref<80x128xi32, #tpu.memory_space<hbm>>
      tpu.wait_dma2 semaphore(%run_scoped3A : memref<!tpu.dma_semaphore, #tpu.memory_space<semaphore_mem>>) src(%dma_wait3A_26 : memref<80x128xi32, #tpu.memory_space<hbm>>) dst(%arg7 : memref<80x128xi32, #tpu.memory_space<vmem>>)
      tpu.yield
    }) : () -> ()
    "tpu.region"() ({
      %run_scoped3A = tpu.sem_alloc : memref<!tpu.dma_semaphore, #tpu.memory_space<semaphore_mem>>
      %dma_start3A = arith.constant 0 : i32
      %dma_start3A_13 = arith.constant 0 : i32
      %dma_start3A_14 = tpu.memref_slice %arg3[%add3A, %dma_start3A, %dma_start3A_13] : memref<32x80x128xi32, #tpu.memory_space<hbm>> -> memref<1x80x128xi32, #tpu.memory_space<hbm>>
      %dma_start3A_15 = tpu.memref_squeeze %dma_start3A_14 : memref<1x80x128xi32, #tpu.memory_space<hbm>> -> memref<80x128xi32, #tpu.memory_space<hbm>>
      %dma_start3A_16 = arith.constant 0 : i32
      %dma_start3A_17 = arith.constant 0 : i32
      %dma_start3A_18 = tpu.memref_slice %arg3[%add3A, %dma_start3A_16, %dma_start3A_17] : memref<32x80x128xi32, #tpu.memory_space<hbm>> -> memref<1x80x128xi32, #tpu.memory_space<hbm>>
      %dma_start3A_19 = tpu.memref_squeeze %dma_start3A_18 : memref<1x80x128xi32, #tpu.memory_space<hbm>> -> memref<80x128xi32, #tpu.memory_space<hbm>>
      tpu.enqueue_dma source(%dma_start3A_19 : memref<80x128xi32, #tpu.memory_space<hbm>>) target(%arg8 : memref<80x128xi32, #tpu.memory_space<vmem>>) target_semaphore(%run_scoped3A : memref<!tpu.dma_semaphore, #tpu.memory_space<semaphore_mem>>)
      %dma_wait3A = arith.constant 0 : i32
      %dma_wait3A_20 = arith.constant 0 : i32
      %dma_wait3A_21 = tpu.memref_slice %arg3[%add3A, %dma_wait3A, %dma_wait3A_20] : memref<32x80x128xi32, #tpu.memory_space<hbm>> -> memref<1x80x128xi32, #tpu.memory_space<hbm>>
      %dma_wait3A_22 = tpu.memref_squeeze %dma_wait3A_21 : memref<1x80x128xi32, #tpu.memory_space<hbm>> -> memref<80x128xi32, #tpu.memory_space<hbm>>
      %dma_wait3A_23 = arith.constant 0 : i32
      %dma_wait3A_24 = arith.constant 0 : i32
      %dma_wait3A_25 = tpu.memref_slice %arg3[%add3A, %dma_wait3A_23, %dma_wait3A_24] : memref<32x80x128xi32, #tpu.memory_space<hbm>> -> memref<1x80x128xi32, #tpu.memory_space<hbm>>
      %dma_wait3A_26 = tpu.memref_squeeze %dma_wait3A_25 : memref<1x80x128xi32, #tpu.memory_space<hbm>> -> memref<80x128xi32, #tpu.memory_space<hbm>>
      tpu.wait_dma2 semaphore(%run_scoped3A : memref<!tpu.dma_semaphore, #tpu.memory_space<semaphore_mem>>) src(%dma_wait3A_26 : memref<80x128xi32, #tpu.memory_space<hbm>>) dst(%arg8 : memref<80x128xi32, #tpu.memory_space<vmem>>)
      tpu.yield
    }) : () -> ()
    %mul3A_1 = arith.constant 640 : i32
    %mul3A_2 = arith.muli %arg1, %mul3A_1 : i32
    "tpu.region"() ({
      %run_scoped3A = tpu.sem_alloc : memref<!tpu.dma_semaphore, #tpu.memory_space<semaphore_mem>>
      %dma_start3A = arith.constant 0 : i32
      %dma_start3A_13 = tpu.memref_slice %arg10[%mul3A_2, %dma_start3A] : memref<10240x64xf32, #tpu.memory_space<vmem_shared>> -> memref<640x64xf32, #tpu.memory_space<vmem_shared>>
      tpu.enqueue_dma source(%arg5 : memref<640x64xf32, #tpu.memory_space<hbm>>) target(%dma_start3A_13 : memref<640x64xf32, #tpu.memory_space<vmem_shared>>) target_semaphore(%run_scoped3A : memref<!tpu.dma_semaphore, #tpu.memory_space<semaphore_mem>>)
      %dma_wait3A = arith.constant 0 : i32
      %dma_wait3A_14 = tpu.memref_slice %arg10[%mul3A_2, %dma_wait3A] : memref<10240x64xf32, #tpu.memory_space<vmem_shared>> -> memref<640x64xf32, #tpu.memory_space<vmem_shared>>
      tpu.wait_dma2 semaphore(%run_scoped3A : memref<!tpu.dma_semaphore, #tpu.memory_space<semaphore_mem>>) src(%arg5 : memref<640x64xf32, #tpu.memory_space<hbm>>) dst(%dma_wait3A_14 : memref<640x64xf32, #tpu.memory_space<vmem_shared>>)
      tpu.yield
    }) : () -> ()
    %barrier3A = arith.constant 0 : index
    tpu.barrier barrier_id(%barrier3A)
    %scan3A = arith.constant 0 : i32
    %scan3A_3 = arith.constant 0 : i32
    %scan3A_4 = arith.constant 80 : i32
    %scan3A_5 = arith.addi %scan3A_3, %scan3A_4 : i32
    %scan3A_6 = arith.constant 1 : i32
    scf.for %scan3A_13 = %scan3A_3 to %scan3A_5 step %scan3A_6  : i32 {
      %dma_start3A = arith.constant 0 : i32
      %dma_start3A_14 = tpu.memref_slice %arg7[%scan3A_13, %dma_start3A] : memref<80x128xi32, #tpu.memory_space<vmem>> -> memref<1x128xi32, #tpu.memory_space<vmem>>
      %dma_start3A_15 = tpu.memref_squeeze %dma_start3A_14 : memref<1x128xi32, #tpu.memory_space<vmem>> -> memref<128xi32, #tpu.memory_space<vmem>>
      %dma_start3A_16 = arith.constant 0 : i32
      %dma_start3A_17 = arith.constant 0 : i32
      %dma_start3A_18 = tpu.memref_slice %arg4[%dma_start3A_16, %dma_start3A_17] : memref<10000x64xf32, #tpu.memory_space<hbm>> -> memref<10000x64xf32, #tpu.memory_space<hbm>>
      tpu.enqueue_indirect_dma source(%dma_start3A_18 : memref<10000x64xf32, #tpu.memory_space<hbm>>) target(%arg9 : memref<128x64xf32, #tpu.memory_space<vmem>>) offsets(%dma_start3A_15 : memref<128xi32, #tpu.memory_space<vmem>>) semaphore(%arg11 : memref<!tpu.dma_semaphore, #tpu.memory_space<semaphore_mem>>)
      %dma_wait3A = arith.constant 0 : i32
      %dma_wait3A_19 = tpu.memref_slice %arg7[%scan3A_13, %dma_wait3A] : memref<80x128xi32, #tpu.memory_space<vmem>> -> memref<1x128xi32, #tpu.memory_space<vmem>>
      %dma_wait3A_20 = tpu.memref_squeeze %dma_wait3A_19 : memref<1x128xi32, #tpu.memory_space<vmem>> -> memref<128xi32, #tpu.memory_space<vmem>>
      %dma_wait3A_21 = arith.constant 0 : i32
      %dma_wait3A_22 = arith.constant 0 : i32
      %dma_wait3A_23 = tpu.memref_slice %arg4[%dma_wait3A_21, %dma_wait3A_22] : memref<10000x64xf32, #tpu.memory_space<hbm>> -> memref<10000x64xf32, #tpu.memory_space<hbm>>
      tpu.wait_indirect_dma semaphore(%arg11 : memref<!tpu.dma_semaphore, #tpu.memory_space<semaphore_mem>>) src(%dma_wait3A_23 : memref<10000x64xf32, #tpu.memory_space<hbm>>) dst(%arg9 : memref<128x64xf32, #tpu.memory_space<vmem>>)
      "tpu.region"() ({
        %run_scoped3A = tpu.sem_alloc : memref<!tpu.dma_semaphore, #tpu.memory_space<semaphore_mem>>
        %dma_start3A_24 = arith.constant 0 : i32
        %dma_start3A_25 = tpu.memref_slice %arg8[%scan3A_13, %dma_start3A_24] : memref<80x128xi32, #tpu.memory_space<vmem>> -> memref<1x128xi32, #tpu.memory_space<vmem>>
        %dma_start3A_26 = tpu.memref_squeeze %dma_start3A_25 : memref<1x128xi32, #tpu.memory_space<vmem>> -> memref<128xi32, #tpu.memory_space<vmem>>
        %dma_start3A_27 = arith.constant 0 : i32
        %dma_start3A_28 = arith.constant 0 : i32
        %dma_start3A_29 = tpu.memref_slice %arg10[%dma_start3A_27, %dma_start3A_28] : memref<10240x64xf32, #tpu.memory_space<vmem_shared>> -> memref<10240x64xf32, #tpu.memory_space<vmem_shared>>
        tpu.enqueue_indirect_dma source(%arg9 : memref<128x64xf32, #tpu.memory_space<vmem>>) target(%dma_start3A_29 : memref<10240x64xf32, #tpu.memory_space<vmem_shared>>) offsets(%dma_start3A_26 : memref<128xi32, #tpu.memory_space<vmem>>) semaphore(%run_scoped3A : memref<!tpu.dma_semaphore, #tpu.memory_space<semaphore_mem>>) {add = true}
        %dma_wait3A_30 = arith.constant 0 : i32
        %dma_wait3A_31 = tpu.memref_slice %arg8[%scan3A_13, %dma_wait3A_30] : memref<80x128xi32, #tpu.memory_space<vmem>> -> memref<1x128xi32, #tpu.memory_space<vmem>>
        %dma_wait3A_32 = tpu.memref_squeeze %dma_wait3A_31 : memref<1x128xi32, #tpu.memory_space<vmem>> -> memref<128xi32, #tpu.memory_space<vmem>>
        %dma_wait3A_33 = arith.constant 0 : i32
        %dma_wait3A_34 = arith.constant 0 : i32
        %dma_wait3A_35 = tpu.memref_slice %arg10[%dma_wait3A_33, %dma_wait3A_34] : memref<10240x64xf32, #tpu.memory_space<vmem_shared>> -> memref<10240x64xf32, #tpu.memory_space<vmem_shared>>
        tpu.wait_indirect_dma semaphore(%run_scoped3A : memref<!tpu.dma_semaphore, #tpu.memory_space<semaphore_mem>>) src(%arg9 : memref<128x64xf32, #tpu.memory_space<vmem>>) dst(%dma_wait3A_35 : memref<10240x64xf32, #tpu.memory_space<vmem_shared>>)
        tpu.yield
      }) : () -> ()
    }
    %scan3A_7 = arith.constant 80 : i32
    %barrier3A_8 = arith.constant 0 : index
    tpu.barrier barrier_id(%barrier3A_8)
    %mul3A_9 = arith.constant 640 : i32
    %mul3A_10 = arith.muli %arg1, %mul3A_9 : i32
    %mul3A_11 = arith.constant 640 : i32
    %mul3A_12 = arith.muli %arg1, %mul3A_11 : i32
    "tpu.region"() ({
      %run_scoped3A = tpu.sem_alloc : memref<!tpu.dma_semaphore, #tpu.memory_space<semaphore_mem>>
      %dma_start3A = arith.constant 0 : i32
      %dma_start3A_13 = tpu.memref_slice %arg6[%arg0, %mul3A_12, %dma_start3A] : memref<2x10240x64xf32, #tpu.memory_space<hbm>> -> memref<1x640x64xf32, #tpu.memory_space<hbm>>
      %dma_start3A_14 = tpu.memref_squeeze %dma_start3A_13 : memref<1x640x64xf32, #tpu.memory_space<hbm>> -> memref<640x64xf32, #tpu.memory_space<hbm>>
      %dma_start3A_15 = arith.constant 0 : i32
      %dma_start3A_16 = tpu.memref_slice %arg10[%mul3A_10, %dma_start3A_15] : memref<10240x64xf32, #tpu.memory_space<vmem_shared>> -> memref<640x64xf32, #tpu.memory_space<vmem_shared>>
      tpu.enqueue_dma source(%dma_start3A_16 : memref<640x64xf32, #tpu.memory_space<vmem_shared>>) target(%dma_start3A_14 : memref<640x64xf32, #tpu.memory_space<hbm>>) target_semaphore(%run_scoped3A : memref<!tpu.dma_semaphore, #tpu.memory_space<semaphore_mem>>)
      %dma_wait3A = arith.constant 0 : i32
      %dma_wait3A_17 = tpu.memref_slice %arg6[%arg0, %mul3A_12, %dma_wait3A] : memref<2x10240x64xf32, #tpu.memory_space<hbm>> -> memref<1x640x64xf32, #tpu.memory_space<hbm>>
      %dma_wait3A_18 = tpu.memref_squeeze %dma_wait3A_17 : memref<1x640x64xf32, #tpu.memory_space<hbm>> -> memref<640x64xf32, #tpu.memory_space<hbm>>
      %dma_wait3A_19 = arith.constant 0 : i32
      %dma_wait3A_20 = tpu.memref_slice %arg10[%mul3A_10, %dma_wait3A_19] : memref<10240x64xf32, #tpu.memory_space<vmem_shared>> -> memref<640x64xf32, #tpu.memory_space<vmem_shared>>
      tpu.wait_dma2 semaphore(%run_scoped3A : memref<!tpu.dma_semaphore, #tpu.memory_space<semaphore_mem>>) src(%dma_wait3A_20 : memref<640x64xf32, #tpu.memory_space<vmem_shared>>) dst(%dma_wait3A_18 : memref<640x64xf32, #tpu.memory_space<hbm>>)
      tpu.yield
    }) : () -> ()
    return
  }
}

#map = affine_map<(d0, d1) -> (0, 0, 0)>
#map1 = affine_map<(d0, d1) -> (0, 0)>
module attributes {stable_mosaic.version = 14 : i64} {
  func.func @_seg_body(%arg0: i32, %arg1: i32, %arg2: memref<32x80x128xi32, #tpu.memory_space<hbm>>, %arg3: memref<32x80x128xi32, #tpu.memory_space<hbm>>, %arg4: memref<10000x128xf32, #tpu.memory_space<hbm>>, %arg5: memref<640x128xf32, #tpu.memory_space<hbm>>, %arg6: memref<2x10240x128xf32, #tpu.memory_space<hbm>>, %arg7: memref<80x128xi32, #tpu.memory_space<vmem>>, %arg8: memref<80x128xi32, #tpu.memory_space<vmem>>, %arg9: memref<128x128xf32, #tpu.memory_space<vmem>>, %arg10: memref<10240x128xf32, #tpu.memory_space<vmem_shared>>, %arg11: memref<!tpu.dma_semaphore, #tpu.memory_space<semaphore_mem>>) attributes {dimension_semantics = [#tpu.dimension_semantics<core_parallel>, #tpu.dimension_semantics<subcore_parallel>], iteration_bounds = array<i64: 2, 16>, scalar_prefetch = 0 : i64, scratch_operands = 5 : i64, tpu.core_type = #tpu.core_type<sc_vector_subcore>, window_params = [{transform_indices = #map}, {transform_indices = #map}, {transform_indices = #map1}, {transform_indices = #map1}, {transform_indices = #map}]} {
    %mul3A = arith.constant 2 : i32
    %mul3A_0 = arith.muli %arg1, %mul3A : i32
    %add3A = arith.addi %mul3A_0, %arg0 : i32
    "tpu.region"() ({
      %run_scoped3A = tpu.sem_alloc : memref<!tpu.dma_semaphore, #tpu.memory_space<semaphore_mem>>
      %dma_start3A = arith.constant 0 : i32
      %dma_start3A_13 = arith.constant 0 : i32
      %dma_start3A_14 = tpu.memref_slice %arg2[%add3A, %dma_start3A, %dma_start3A_13] : memref<32x80x128xi32, #tpu.memory_space<hbm>> -> memref<1x80x128xi32, #tpu.memory_space<hbm>>
      %dma_start3A_15 = tpu.memref_squeeze %dma_start3A_14 : memref<1x80x128xi32, #tpu.memory_space<hbm>> -> memref<80x128xi32, #tpu.memory_space<hbm>>
      %dma_start3A_16 = arith.constant 0 : i32
      %dma_start3A_17 = arith.constant 0 : i32
      %dma_start3A_18 = tpu.memref_slice %arg2[%add3A, %dma_start3A_16, %dma_start3A_17] : memref<32x80x128xi32, #tpu.memory_space<hbm>> -> memref<1x80x128xi32, #tpu.memory_space<hbm>>
      %dma_start3A_19 = tpu.memref_squeeze %dma_start3A_18 : memref<1x80x128xi32, #tpu.memory_space<hbm>> -> memref<80x128xi32, #tpu.memory_space<hbm>>
      tpu.enqueue_dma source(%dma_start3A_19 : memref<80x128xi32, #tpu.memory_space<hbm>>) target(%arg7 : memref<80x128xi32, #tpu.memory_space<vmem>>) target_semaphore(%run_scoped3A : memref<!tpu.dma_semaphore, #tpu.memory_space<semaphore_mem>>)
      %dma_wait3A = arith.constant 0 : i32
      %dma_wait3A_20 = arith.constant 0 : i32
      %dma_wait3A_21 = tpu.memref_slice %arg2[%add3A, %dma_wait3A, %dma_wait3A_20] : memref<32x80x128xi32, #tpu.memory_space<hbm>> -> memref<1x80x128xi32, #tpu.memory_space<hbm>>
      %dma_wait3A_22 = tpu.memref_squeeze %dma_wait3A_21 : memref<1x80x128xi32, #tpu.memory_space<hbm>> -> memref<80x128xi32, #tpu.memory_space<hbm>>
      %dma_wait3A_23 = arith.constant 0 : i32
      %dma_wait3A_24 = arith.constant 0 : i32
      %dma_wait3A_25 = tpu.memref_slice %arg2[%add3A, %dma_wait3A_23, %dma_wait3A_24] : memref<32x80x128xi32, #tpu.memory_space<hbm>> -> memref<1x80x128xi32, #tpu.memory_space<hbm>>
      %dma_wait3A_26 = tpu.memref_squeeze %dma_wait3A_25 : memref<1x80x128xi32, #tpu.memory_space<hbm>> -> memref<80x128xi32, #tpu.memory_space<hbm>>
      tpu.wait_dma2 semaphore(%run_scoped3A : memref<!tpu.dma_semaphore, #tpu.memory_space<semaphore_mem>>) src(%dma_wait3A_26 : memref<80x128xi32, #tpu.memory_space<hbm>>) dst(%arg7 : memref<80x128xi32, #tpu.memory_space<vmem>>)
      tpu.yield
    }) : () -> ()
    "tpu.region"() ({
      %run_scoped3A = tpu.sem_alloc : memref<!tpu.dma_semaphore, #tpu.memory_space<semaphore_mem>>
      %dma_start3A = arith.constant 0 : i32
      %dma_start3A_13 = arith.constant 0 : i32
      %dma_start3A_14 = tpu.memref_slice %arg3[%add3A, %dma_start3A, %dma_start3A_13] : memref<32x80x128xi32, #tpu.memory_space<hbm>> -> memref<1x80x128xi32, #tpu.memory_space<hbm>>
      %dma_start3A_15 = tpu.memref_squeeze %dma_start3A_14 : memref<1x80x128xi32, #tpu.memory_space<hbm>> -> memref<80x128xi32, #tpu.memory_space<hbm>>
      %dma_start3A_16 = arith.constant 0 : i32
      %dma_start3A_17 = arith.constant 0 : i32
      %dma_start3A_18 = tpu.memref_slice %arg3[%add3A, %dma_start3A_16, %dma_start3A_17] : memref<32x80x128xi32, #tpu.memory_space<hbm>> -> memref<1x80x128xi32, #tpu.memory_space<hbm>>
      %dma_start3A_19 = tpu.memref_squeeze %dma_start3A_18 : memref<1x80x128xi32, #tpu.memory_space<hbm>> -> memref<80x128xi32, #tpu.memory_space<hbm>>
      tpu.enqueue_dma source(%dma_start3A_19 : memref<80x128xi32, #tpu.memory_space<hbm>>) target(%arg8 : memref<80x128xi32, #tpu.memory_space<vmem>>) target_semaphore(%run_scoped3A : memref<!tpu.dma_semaphore, #tpu.memory_space<semaphore_mem>>)
      %dma_wait3A = arith.constant 0 : i32
      %dma_wait3A_20 = arith.constant 0 : i32
      %dma_wait3A_21 = tpu.memref_slice %arg3[%add3A, %dma_wait3A, %dma_wait3A_20] : memref<32x80x128xi32, #tpu.memory_space<hbm>> -> memref<1x80x128xi32, #tpu.memory_space<hbm>>
      %dma_wait3A_22 = tpu.memref_squeeze %dma_wait3A_21 : memref<1x80x128xi32, #tpu.memory_space<hbm>> -> memref<80x128xi32, #tpu.memory_space<hbm>>
      %dma_wait3A_23 = arith.constant 0 : i32
      %dma_wait3A_24 = arith.constant 0 : i32
      %dma_wait3A_25 = tpu.memref_slice %arg3[%add3A, %dma_wait3A_23, %dma_wait3A_24] : memref<32x80x128xi32, #tpu.memory_space<hbm>> -> memref<1x80x128xi32, #tpu.memory_space<hbm>>
      %dma_wait3A_26 = tpu.memref_squeeze %dma_wait3A_25 : memref<1x80x128xi32, #tpu.memory_space<hbm>> -> memref<80x128xi32, #tpu.memory_space<hbm>>
      tpu.wait_dma2 semaphore(%run_scoped3A : memref<!tpu.dma_semaphore, #tpu.memory_space<semaphore_mem>>) src(%dma_wait3A_26 : memref<80x128xi32, #tpu.memory_space<hbm>>) dst(%arg8 : memref<80x128xi32, #tpu.memory_space<vmem>>)
      tpu.yield
    }) : () -> ()
    %mul3A_1 = arith.constant 640 : i32
    %mul3A_2 = arith.muli %arg1, %mul3A_1 : i32
    "tpu.region"() ({
      %run_scoped3A = tpu.sem_alloc : memref<!tpu.dma_semaphore, #tpu.memory_space<semaphore_mem>>
      %dma_start3A = arith.constant 0 : i32
      %dma_start3A_13 = tpu.memref_slice %arg10[%mul3A_2, %dma_start3A] : memref<10240x128xf32, #tpu.memory_space<vmem_shared>> -> memref<640x128xf32, #tpu.memory_space<vmem_shared>>
      tpu.enqueue_dma source(%arg5 : memref<640x128xf32, #tpu.memory_space<hbm>>) target(%dma_start3A_13 : memref<640x128xf32, #tpu.memory_space<vmem_shared>>) target_semaphore(%run_scoped3A : memref<!tpu.dma_semaphore, #tpu.memory_space<semaphore_mem>>)
      %dma_wait3A = arith.constant 0 : i32
      %dma_wait3A_14 = tpu.memref_slice %arg10[%mul3A_2, %dma_wait3A] : memref<10240x128xf32, #tpu.memory_space<vmem_shared>> -> memref<640x128xf32, #tpu.memory_space<vmem_shared>>
      tpu.wait_dma2 semaphore(%run_scoped3A : memref<!tpu.dma_semaphore, #tpu.memory_space<semaphore_mem>>) src(%arg5 : memref<640x128xf32, #tpu.memory_space<hbm>>) dst(%dma_wait3A_14 : memref<640x128xf32, #tpu.memory_space<vmem_shared>>)
      tpu.yield
    }) : () -> ()
    %barrier3A = arith.constant 0 : index
    tpu.barrier barrier_id(%barrier3A)
    %scan3A = arith.constant 0 : i32
    %scan3A_3 = arith.constant 0 : i32
    %scan3A_4 = arith.constant 80 : i32
    %scan3A_5 = arith.addi %scan3A_3, %scan3A_4 : i32
    %scan3A_6 = arith.constant 1 : i32
    scf.for %scan3A_13 = %scan3A_3 to %scan3A_5 step %scan3A_6  : i32 {
      %dma_start3A = arith.constant 0 : i32
      %dma_start3A_14 = tpu.memref_slice %arg7[%scan3A_13, %dma_start3A] : memref<80x128xi32, #tpu.memory_space<vmem>> -> memref<1x128xi32, #tpu.memory_space<vmem>>
      %dma_start3A_15 = tpu.memref_squeeze %dma_start3A_14 : memref<1x128xi32, #tpu.memory_space<vmem>> -> memref<128xi32, #tpu.memory_space<vmem>>
      %dma_start3A_16 = arith.constant 0 : i32
      %dma_start3A_17 = arith.constant 0 : i32
      %dma_start3A_18 = tpu.memref_slice %arg4[%dma_start3A_16, %dma_start3A_17] : memref<10000x128xf32, #tpu.memory_space<hbm>> -> memref<10000x128xf32, #tpu.memory_space<hbm>>
      tpu.enqueue_indirect_dma source(%dma_start3A_18 : memref<10000x128xf32, #tpu.memory_space<hbm>>) target(%arg9 : memref<128x128xf32, #tpu.memory_space<vmem>>) offsets(%dma_start3A_15 : memref<128xi32, #tpu.memory_space<vmem>>) semaphore(%arg11 : memref<!tpu.dma_semaphore, #tpu.memory_space<semaphore_mem>>)
      %dma_wait3A = arith.constant 0 : i32
      %dma_wait3A_19 = tpu.memref_slice %arg7[%scan3A_13, %dma_wait3A] : memref<80x128xi32, #tpu.memory_space<vmem>> -> memref<1x128xi32, #tpu.memory_space<vmem>>
      %dma_wait3A_20 = tpu.memref_squeeze %dma_wait3A_19 : memref<1x128xi32, #tpu.memory_space<vmem>> -> memref<128xi32, #tpu.memory_space<vmem>>
      %dma_wait3A_21 = arith.constant 0 : i32
      %dma_wait3A_22 = arith.constant 0 : i32
      %dma_wait3A_23 = tpu.memref_slice %arg4[%dma_wait3A_21, %dma_wait3A_22] : memref<10000x128xf32, #tpu.memory_space<hbm>> -> memref<10000x128xf32, #tpu.memory_space<hbm>>
      tpu.wait_indirect_dma semaphore(%arg11 : memref<!tpu.dma_semaphore, #tpu.memory_space<semaphore_mem>>) src(%dma_wait3A_23 : memref<10000x128xf32, #tpu.memory_space<hbm>>) dst(%arg9 : memref<128x128xf32, #tpu.memory_space<vmem>>)
      "tpu.region"() ({
        %run_scoped3A = tpu.sem_alloc : memref<!tpu.dma_semaphore, #tpu.memory_space<semaphore_mem>>
        %dma_start3A_24 = arith.constant 0 : i32
        %dma_start3A_25 = tpu.memref_slice %arg8[%scan3A_13, %dma_start3A_24] : memref<80x128xi32, #tpu.memory_space<vmem>> -> memref<1x128xi32, #tpu.memory_space<vmem>>
        %dma_start3A_26 = tpu.memref_squeeze %dma_start3A_25 : memref<1x128xi32, #tpu.memory_space<vmem>> -> memref<128xi32, #tpu.memory_space<vmem>>
        %dma_start3A_27 = arith.constant 0 : i32
        %dma_start3A_28 = arith.constant 0 : i32
        %dma_start3A_29 = tpu.memref_slice %arg10[%dma_start3A_27, %dma_start3A_28] : memref<10240x128xf32, #tpu.memory_space<vmem_shared>> -> memref<10240x128xf32, #tpu.memory_space<vmem_shared>>
        tpu.enqueue_indirect_dma source(%arg9 : memref<128x128xf32, #tpu.memory_space<vmem>>) target(%dma_start3A_29 : memref<10240x128xf32, #tpu.memory_space<vmem_shared>>) offsets(%dma_start3A_26 : memref<128xi32, #tpu.memory_space<vmem>>) semaphore(%run_scoped3A : memref<!tpu.dma_semaphore, #tpu.memory_space<semaphore_mem>>) {add = true}
        %dma_wait3A_30 = arith.constant 0 : i32
        %dma_wait3A_31 = tpu.memref_slice %arg8[%scan3A_13, %dma_wait3A_30] : memref<80x128xi32, #tpu.memory_space<vmem>> -> memref<1x128xi32, #tpu.memory_space<vmem>>
        %dma_wait3A_32 = tpu.memref_squeeze %dma_wait3A_31 : memref<1x128xi32, #tpu.memory_space<vmem>> -> memref<128xi32, #tpu.memory_space<vmem>>
        %dma_wait3A_33 = arith.constant 0 : i32
        %dma_wait3A_34 = arith.constant 0 : i32
        %dma_wait3A_35 = tpu.memref_slice %arg10[%dma_wait3A_33, %dma_wait3A_34] : memref<10240x128xf32, #tpu.memory_space<vmem_shared>> -> memref<10240x128xf32, #tpu.memory_space<vmem_shared>>
        tpu.wait_indirect_dma semaphore(%run_scoped3A : memref<!tpu.dma_semaphore, #tpu.memory_space<semaphore_mem>>) src(%arg9 : memref<128x128xf32, #tpu.memory_space<vmem>>) dst(%dma_wait3A_35 : memref<10240x128xf32, #tpu.memory_space<vmem_shared>>)
        tpu.yield
      }) : () -> ()
    }
    %scan3A_7 = arith.constant 80 : i32
    %barrier3A_8 = arith.constant 0 : index
    tpu.barrier barrier_id(%barrier3A_8)
    %mul3A_9 = arith.constant 640 : i32
    %mul3A_10 = arith.muli %arg1, %mul3A_9 : i32
    %mul3A_11 = arith.constant 640 : i32
    %mul3A_12 = arith.muli %arg1, %mul3A_11 : i32
    "tpu.region"() ({
      %run_scoped3A = tpu.sem_alloc : memref<!tpu.dma_semaphore, #tpu.memory_space<semaphore_mem>>
      %dma_start3A = arith.constant 0 : i32
      %dma_start3A_13 = tpu.memref_slice %arg6[%arg0, %mul3A_12, %dma_start3A] : memref<2x10240x128xf32, #tpu.memory_space<hbm>> -> memref<1x640x128xf32, #tpu.memory_space<hbm>>
      %dma_start3A_14 = tpu.memref_squeeze %dma_start3A_13 : memref<1x640x128xf32, #tpu.memory_space<hbm>> -> memref<640x128xf32, #tpu.memory_space<hbm>>
      %dma_start3A_15 = arith.constant 0 : i32
      %dma_start3A_16 = tpu.memref_slice %arg10[%mul3A_10, %dma_start3A_15] : memref<10240x128xf32, #tpu.memory_space<vmem_shared>> -> memref<640x128xf32, #tpu.memory_space<vmem_shared>>
      tpu.enqueue_dma source(%dma_start3A_16 : memref<640x128xf32, #tpu.memory_space<vmem_shared>>) target(%dma_start3A_14 : memref<640x128xf32, #tpu.memory_space<hbm>>) target_semaphore(%run_scoped3A : memref<!tpu.dma_semaphore, #tpu.memory_space<semaphore_mem>>)
      %dma_wait3A = arith.constant 0 : i32
      %dma_wait3A_17 = tpu.memref_slice %arg6[%arg0, %mul3A_12, %dma_wait3A] : memref<2x10240x128xf32, #tpu.memory_space<hbm>> -> memref<1x640x128xf32, #tpu.memory_space<hbm>>
      %dma_wait3A_18 = tpu.memref_squeeze %dma_wait3A_17 : memref<1x640x128xf32, #tpu.memory_space<hbm>> -> memref<640x128xf32, #tpu.memory_space<hbm>>
      %dma_wait3A_19 = arith.constant 0 : i32
      %dma_wait3A_20 = tpu.memref_slice %arg10[%mul3A_10, %dma_wait3A_19] : memref<10240x128xf32, #tpu.memory_space<vmem_shared>> -> memref<640x128xf32, #tpu.memory_space<vmem_shared>>
      tpu.wait_dma2 semaphore(%run_scoped3A : memref<!tpu.dma_semaphore, #tpu.memory_space<semaphore_mem>>) src(%dma_wait3A_20 : memref<640x128xf32, #tpu.memory_space<vmem_shared>>) dst(%dma_wait3A_18 : memref<640x128xf32, #tpu.memory_space<hbm>>)
      tpu.yield
    }) : () -> ()
    return
  }
}

module attributes {stable_mosaic.version = 14 : i64} {
  func.func @_mm1_body(%arg0: i32, %arg1: memref<8x1000x128xf32, #tpu.memory_space<vmem>>, %arg2: memref<128x8xf32, #tpu.memory_space<vmem>>, %arg3: memref<1000x64xf32, #tpu.memory_space<vmem>>) attributes {dimension_semantics = [#tpu.dimension_semantics<arbitrary>], iteration_bounds = array<i64: 10>, scalar_prefetch = 0 : i64, scratch_operands = 0 : i64, tpu.core_type = #tpu.core_type<tc>, window_params = [{transform_indices = @transform_0, window_bounds = array<i64: 8, 1000, 128>}, {pipeline_mode = #tpu.pipeline_mode<synchronous>, transform_indices = @transform_1, window_bounds = array<i64: 128, 8>}, {transform_indices = @transform_2, window_bounds = array<i64: 1000, 64>}]} {
    %get3A = arith.constant 0 : index
    %get3A_0 = arith.constant 0 : index
    %get3A_1 = vector.load %arg2[%get3A, %get3A_0] : memref<128x8xf32, #tpu.memory_space<vmem>>, vector<128x8xf32>
    %get3A_2 = arith.constant 0 : index
    %get3A_3 = arith.constant 0 : index
    %get3A_4 = arith.constant 0 : index
    %get3A_5 = vector.load %arg1[%get3A_2, %get3A_3, %get3A_4] : memref<8x1000x128xf32, #tpu.memory_space<vmem>>, vector<1x1000x128xf32>
    %get3A_6 = vector.shape_cast %get3A_5 : vector<1x1000x128xf32> to vector<1000x128xf32>
    %dot_general3A = arith.constant dense<0.000000e+00> : vector<1000x8xf32>
    %dot_general3A_7 = tpu.matmul %get3A_6, %get3A_1, %dot_general3A {dimension_numbers = #tpu.dot_dimension_numbers<[1], [0], [0], [1], [0, 0, 1, 1], [], []>, transpose_lhs_hint = false} : vector<1000x128xf32>, vector<128x8xf32>, vector<1000x8xf32> -> vector<1000x8xf32>
    %get3A_8 = arith.constant 1 : index
    %get3A_9 = arith.constant 0 : index
    %get3A_10 = arith.constant 0 : index
    %get3A_11 = vector.load %arg1[%get3A_8, %get3A_9, %get3A_10] : memref<8x1000x128xf32, #tpu.memory_space<vmem>>, vector<1x1000x128xf32>
    %get3A_12 = vector.shape_cast %get3A_11 : vector<1x1000x128xf32> to vector<1000x128xf32>
    %dot_general3A_13 = arith.constant dense<0.000000e+00> : vector<1000x8xf32>
    %dot_general3A_14 = tpu.matmul %get3A_12, %get3A_1, %dot_general3A_13 {dimension_numbers = #tpu.dot_dimension_numbers<[1], [0], [0], [1], [0, 0, 1, 1], [], []>, transpose_lhs_hint = false} : vector<1000x128xf32>, vector<128x8xf32>, vector<1000x8xf32> -> vector<1000x8xf32>
    %get3A_15 = arith.constant 2 : index
    %get3A_16 = arith.constant 0 : index
    %get3A_17 = arith.constant 0 : index
    %get3A_18 = vector.load %arg1[%get3A_15, %get3A_16, %get3A_17] : memref<8x1000x128xf32, #tpu.memory_space<vmem>>, vector<1x1000x128xf32>
    %get3A_19 = vector.shape_cast %get3A_18 : vector<1x1000x128xf32> to vector<1000x128xf32>
    %dot_general3A_20 = arith.constant dense<0.000000e+00> : vector<1000x8xf32>
    %dot_general3A_21 = tpu.matmul %get3A_19, %get3A_1, %dot_general3A_20 {dimension_numbers = #tpu.dot_dimension_numbers<[1], [0], [0], [1], [0, 0, 1, 1], [], []>, transpose_lhs_hint = false} : vector<1000x128xf32>, vector<128x8xf32>, vector<1000x8xf32> -> vector<1000x8xf32>
    %get3A_22 = arith.constant 3 : index
    %get3A_23 = arith.constant 0 : index
    %get3A_24 = arith.constant 0 : index
    %get3A_25 = vector.load %arg1[%get3A_22, %get3A_23, %get3A_24] : memref<8x1000x128xf32, #tpu.memory_space<vmem>>, vector<1x1000x128xf32>
    %get3A_26 = vector.shape_cast %get3A_25 : vector<1x1000x128xf32> to vector<1000x128xf32>
    %dot_general3A_27 = arith.constant dense<0.000000e+00> : vector<1000x8xf32>
    %dot_general3A_28 = tpu.matmul %get3A_26, %get3A_1, %dot_general3A_27 {dimension_numbers = #tpu.dot_dimension_numbers<[1], [0], [0], [1], [0, 0, 1, 1], [], []>, transpose_lhs_hint = false} : vector<1000x128xf32>, vector<128x8xf32>, vector<1000x8xf32> -> vector<1000x8xf32>
    %get3A_29 = arith.constant 4 : index
    %get3A_30 = arith.constant 0 : index
    %get3A_31 = arith.constant 0 : index
    %get3A_32 = vector.load %arg1[%get3A_29, %get3A_30, %get3A_31] : memref<8x1000x128xf32, #tpu.memory_space<vmem>>, vector<1x1000x128xf32>
    %get3A_33 = vector.shape_cast %get3A_32 : vector<1x1000x128xf32> to vector<1000x128xf32>
    %dot_general3A_34 = arith.constant dense<0.000000e+00> : vector<1000x8xf32>
    %dot_general3A_35 = tpu.matmul %get3A_33, %get3A_1, %dot_general3A_34 {dimension_numbers = #tpu.dot_dimension_numbers<[1], [0], [0], [1], [0, 0, 1, 1], [], []>, transpose_lhs_hint = false} : vector<1000x128xf32>, vector<128x8xf32>, vector<1000x8xf32> -> vector<1000x8xf32>
    %get3A_36 = arith.constant 5 : index
    %get3A_37 = arith.constant 0 : index
    %get3A_38 = arith.constant 0 : index
    %get3A_39 = vector.load %arg1[%get3A_36, %get3A_37, %get3A_38] : memref<8x1000x128xf32, #tpu.memory_space<vmem>>, vector<1x1000x128xf32>
    %get3A_40 = vector.shape_cast %get3A_39 : vector<1x1000x128xf32> to vector<1000x128xf32>
    %dot_general3A_41 = arith.constant dense<0.000000e+00> : vector<1000x8xf32>
    %dot_general3A_42 = tpu.matmul %get3A_40, %get3A_1, %dot_general3A_41 {dimension_numbers = #tpu.dot_dimension_numbers<[1], [0], [0], [1], [0, 0, 1, 1], [], []>, transpose_lhs_hint = false} : vector<1000x128xf32>, vector<128x8xf32>, vector<1000x8xf32> -> vector<1000x8xf32>
    %get3A_43 = arith.constant 6 : index
    %get3A_44 = arith.constant 0 : index
    %get3A_45 = arith.constant 0 : index
    %get3A_46 = vector.load %arg1[%get3A_43, %get3A_44, %get3A_45] : memref<8x1000x128xf32, #tpu.memory_space<vmem>>, vector<1x1000x128xf32>
    %get3A_47 = vector.shape_cast %get3A_46 : vector<1x1000x128xf32> to vector<1000x128xf32>
    %dot_general3A_48 = arith.constant dense<0.000000e+00> : vector<1000x8xf32>
    %dot_general3A_49 = tpu.matmul %get3A_47, %get3A_1, %dot_general3A_48 {dimension_numbers = #tpu.dot_dimension_numbers<[1], [0], [0], [1], [0, 0, 1, 1], [], []>, transpose_lhs_hint = false} : vector<1000x128xf32>, vector<128x8xf32>, vector<1000x8xf32> -> vector<1000x8xf32>
    %get3A_50 = arith.constant 7 : index
    %get3A_51 = arith.constant 0 : index
    %get3A_52 = arith.constant 0 : index
    %get3A_53 = vector.load %arg1[%get3A_50, %get3A_51, %get3A_52] : memref<8x1000x128xf32, #tpu.memory_space<vmem>>, vector<1x1000x128xf32>
    %get3A_54 = vector.shape_cast %get3A_53 : vector<1x1000x128xf32> to vector<1000x128xf32>
    %dot_general3A_55 = arith.constant dense<0.000000e+00> : vector<1000x8xf32>
    %dot_general3A_56 = tpu.matmul %get3A_54, %get3A_1, %dot_general3A_55 {dimension_numbers = #tpu.dot_dimension_numbers<[1], [0], [0], [1], [0, 0, 1, 1], [], []>, transpose_lhs_hint = false} : vector<1000x128xf32>, vector<128x8xf32>, vector<1000x8xf32> -> vector<1000x8xf32>
    %concatenate3A = tpu.concatenate %dot_general3A_7, %dot_general3A_14, %dot_general3A_21, %dot_general3A_28, %dot_general3A_35, %dot_general3A_42, %dot_general3A_49, %dot_general3A_56 in 1 : vector<1000x8xf32>, vector<1000x8xf32>, vector<1000x8xf32>, vector<1000x8xf32>, vector<1000x8xf32>, vector<1000x8xf32>, vector<1000x8xf32>, vector<1000x8xf32> -> vector<1000x64xf32>
    %swap3A = arith.constant 0 : index
    %swap3A_57 = arith.constant 0 : index
    %swap3A_58 = vector.load %arg3[%swap3A, %swap3A_57] : memref<1000x64xf32, #tpu.memory_space<vmem>>, vector<1000x64xf32>
    tpu.vector_store %arg3[%swap3A, %swap3A_57], %concatenate3A {strides = array<i32>} : memref<1000x64xf32, #tpu.memory_space<vmem>>, vector<1000x64xf32>,
    return
  }
  func.func @transform_0(%arg0: i32) -> (i32, i32, i32) {
    %c0_i32 = arith.constant 0 : i32
    %c0_i32_0 = arith.constant 0 : i32
    %c0_i32_1 = arith.constant 0 : i32
    return %c0_i32, %arg0, %c0_i32_0 : i32, i32, i32
  }
  func.func @transform_1(%arg0: i32) -> (i32, i32) {
    %c0_i32 = arith.constant 0 : i32
    %c0_i32_0 = arith.constant 0 : i32
    %c0_i32_1 = arith.constant 0 : i32
    return %c0_i32, %c0_i32_0 : i32, i32
  }
  func.func @transform_2(%arg0: i32) -> (i32, i32) {
    %c0_i32 = arith.constant 0 : i32
    %c0_i32_0 = arith.constant 0 : i32
    return %arg0, %c0_i32 : i32, i32
  }
}

module attributes {stable_mosaic.version = 14 : i64} {
  func.func @_scale_body(%arg0: i32, %arg1: memref<1000x64xf32, #tpu.memory_space<vmem>>, %arg2: memref<2x2x1000x16xf32, #tpu.memory_space<vmem>>, %arg3: memref<1000x64xf32, #tpu.memory_space<vmem>>) attributes {dimension_semantics = [#tpu.dimension_semantics<arbitrary>], iteration_bounds = array<i64: 10>, scalar_prefetch = 0 : i64, scratch_operands = 0 : i64, tpu.core_type = #tpu.core_type<tc>, window_params = [{transform_indices = @transform_0, window_bounds = array<i64: 1000, 64>}, {transform_indices = @transform_1, window_bounds = array<i64: 2, 2, 1000, 16>}, {transform_indices = @transform_2, window_bounds = array<i64: 1000, 64>}]} {
    %get3A = arith.constant 0 : index
    %get3A_0 = arith.constant 0 : index
    %get3A_1 = arith.constant 0 : index
    %get3A_2 = arith.constant 0 : index
    %get3A_3 = vector.load %arg2[%get3A, %get3A_0, %get3A_1, %get3A_2] : memref<2x2x1000x16xf32, #tpu.memory_space<vmem>>, vector<1x1x1000x16xf32>
    %get3A_4 = vector.shape_cast %get3A_3 : vector<1x1x1000x16xf32> to vector<1000x16xf32>
    %get3A_5 = arith.constant 1 : index
    %get3A_6 = arith.constant 0 : index
    %get3A_7 = arith.constant 0 : index
    %get3A_8 = arith.constant 0 : index
    %get3A_9 = vector.load %arg2[%get3A_5, %get3A_6, %get3A_7, %get3A_8] : memref<2x2x1000x16xf32, #tpu.memory_space<vmem>>, vector<1x1x1000x16xf32>
    %get3A_10 = vector.shape_cast %get3A_9 : vector<1x1x1000x16xf32> to vector<1000x16xf32>
    %add3A = arith.addf %get3A_4, %get3A_10 : vector<1000x16xf32>
    %max3A = arith.constant 1.000000e+00 : f32
    %max3A_11 = vector.broadcast %max3A : f32 to vector<1000x16xf32>
    %max3A_12 = arith.maximumf %add3A, %max3A_11 : vector<1000x16xf32>
    %rsqrt3A = math.rsqrt %max3A_12 : vector<1000x16xf32>
    %slice3A = vector.extract_strided_slice %rsqrt3A {offsets = [0, 0], sizes = [1000, 1], strides = [1, 1]} : vector<1000x16xf32> to vector<1000x1xf32>
    %get3A_13 = arith.constant 0 : index
    %get3A_14 = arith.constant 0 : index
    %get3A_15 = vector.load %arg1[%get3A_13, %get3A_14] : memref<1000x64xf32, #tpu.memory_space<vmem>>, vector<1000x64xf32>
    %mul3A = vector.broadcast %slice3A : vector<1000x1xf32> to vector<1000x64xf32>
    %mul3A_16 = arith.mulf %get3A_15, %mul3A : vector<1000x64xf32>
    %swap3A = arith.constant 0 : index
    %swap3A_17 = arith.constant 0 : index
    %swap3A_18 = vector.load %arg3[%swap3A, %swap3A_17] : memref<1000x64xf32, #tpu.memory_space<vmem>>, vector<1000x64xf32>
    tpu.vector_store %arg3[%swap3A, %swap3A_17], %mul3A_16 {strides = array<i32>} : memref<1000x64xf32, #tpu.memory_space<vmem>>, vector<1000x64xf32>,
    return
  }
  func.func @transform_0(%arg0: i32) -> (i32, i32) {
    %c0_i32 = arith.constant 0 : i32
    %c0_i32_0 = arith.constant 0 : i32
    return %arg0, %c0_i32 : i32, i32
  }
  func.func @transform_1(%arg0: i32) -> (i32, i32, i32, i32) {
    %c0_i32 = arith.constant 0 : i32
    %c0_i32_0 = arith.constant 0 : i32
    %c0_i32_1 = arith.constant 0 : i32
    %c0_i32_2 = arith.constant 0 : i32
    return %c0_i32, %c0_i32_0, %arg0, %c0_i32_1 : i32, i32, i32, i32
  }
  func.func @transform_2(%arg0: i32) -> (i32, i32) {
    %c0_i32 = arith.constant 0 : i32
    %c0_i32_0 = arith.constant 0 : i32
    return %arg0, %c0_i32 : i32, i32
  }
}

module attributes {stable_mosaic.version = 14 : i64} {
  func.func @_mm2_body(%arg0: i32, %arg1: memref<2x1000x64xf32, #tpu.memory_space<vmem>>, %arg2: memref<2x2x1000x16xf32, #tpu.memory_space<vmem>>, %arg3: memref<1x64xf32, #tpu.memory_space<vmem>>, %arg4: memref<64x128xf32, #tpu.memory_space<vmem>>, %arg5: memref<1000x128xf32, #tpu.memory_space<vmem>>) attributes {dimension_semantics = [#tpu.dimension_semantics<arbitrary>], iteration_bounds = array<i64: 10>, scalar_prefetch = 0 : i64, scratch_operands = 0 : i64, tpu.core_type = #tpu.core_type<tc>, window_params = [{transform_indices = @transform_0, window_bounds = array<i64: 2, 1000, 64>}, {transform_indices = @transform_1, window_bounds = array<i64: 2, 2, 1000, 16>}, {pipeline_mode = #tpu.pipeline_mode<synchronous>, transform_indices = @transform_2, window_bounds = array<i64: 1, 64>}, {pipeline_mode = #tpu.pipeline_mode<synchronous>, transform_indices = @transform_3, window_bounds = array<i64: 64, 128>}, {transform_indices = @transform_4, window_bounds = array<i64: 1000, 128>}]} {
    %get3A = arith.constant 0 : index
    %get3A_0 = arith.constant 0 : index
    %get3A_1 = arith.constant 0 : index
    %get3A_2 = arith.constant 0 : index
    %get3A_3 = vector.load %arg2[%get3A, %get3A_0, %get3A_1, %get3A_2] : memref<2x2x1000x16xf32, #tpu.memory_space<vmem>>, vector<1x1x1000x16xf32>
    %get3A_4 = vector.shape_cast %get3A_3 : vector<1x1x1000x16xf32> to vector<1000x16xf32>
    %get3A_5 = arith.constant 1 : index
    %get3A_6 = arith.constant 0 : index
    %get3A_7 = arith.constant 0 : index
    %get3A_8 = arith.constant 0 : index
    %get3A_9 = vector.load %arg2[%get3A_5, %get3A_6, %get3A_7, %get3A_8] : memref<2x2x1000x16xf32, #tpu.memory_space<vmem>>, vector<1x1x1000x16xf32>
    %get3A_10 = vector.shape_cast %get3A_9 : vector<1x1x1000x16xf32> to vector<1000x16xf32>
    %add3A = arith.addf %get3A_4, %get3A_10 : vector<1000x16xf32>
    %max3A = arith.constant 1.000000e+00 : f32
    %max3A_11 = vector.broadcast %max3A : f32 to vector<1000x16xf32>
    %max3A_12 = arith.maximumf %add3A, %max3A_11 : vector<1000x16xf32>
    %rsqrt3A = math.rsqrt %max3A_12 : vector<1000x16xf32>
    %slice3A = vector.extract_strided_slice %rsqrt3A {offsets = [0, 0], sizes = [1000, 1], strides = [1, 1]} : vector<1000x16xf32> to vector<1000x1xf32>
    %get3A_13 = arith.constant 0 : index
    %get3A_14 = arith.constant 1 : index
    %get3A_15 = arith.constant 0 : index
    %get3A_16 = arith.constant 0 : index
    %get3A_17 = vector.load %arg2[%get3A_13, %get3A_14, %get3A_15, %get3A_16] : memref<2x2x1000x16xf32, #tpu.memory_space<vmem>>, vector<1x1x1000x16xf32>
    %get3A_18 = vector.shape_cast %get3A_17 : vector<1x1x1000x16xf32> to vector<1000x16xf32>
    %get3A_19 = arith.constant 1 : index
    %get3A_20 = arith.constant 1 : index
    %get3A_21 = arith.constant 0 : index
    %get3A_22 = arith.constant 0 : index
    %get3A_23 = vector.load %arg2[%get3A_19, %get3A_20, %get3A_21, %get3A_22] : memref<2x2x1000x16xf32, #tpu.memory_space<vmem>>, vector<1x1x1000x16xf32>
    %get3A_24 = vector.shape_cast %get3A_23 : vector<1x1x1000x16xf32> to vector<1000x16xf32>
    %add3A_25 = arith.addf %get3A_18, %get3A_24 : vector<1000x16xf32>
    %max3A_26 = arith.constant 1.000000e+00 : f32
    %max3A_27 = vector.broadcast %max3A_26 : f32 to vector<1000x16xf32>
    %max3A_28 = arith.maximumf %add3A_25, %max3A_27 : vector<1000x16xf32>
    %rsqrt3A_29 = math.rsqrt %max3A_28 : vector<1000x16xf32>
    %slice3A_30 = vector.extract_strided_slice %rsqrt3A_29 {offsets = [0, 0], sizes = [1000, 1], strides = [1, 1]} : vector<1000x16xf32> to vector<1000x1xf32>
    %get3A_31 = arith.constant 0 : index
    %get3A_32 = arith.constant 0 : index
    %get3A_33 = arith.constant 0 : index
    %get3A_34 = vector.load %arg1[%get3A_31, %get3A_32, %get3A_33] : memref<2x1000x64xf32, #tpu.memory_space<vmem>>, vector<1x1000x64xf32>
    %get3A_35 = vector.shape_cast %get3A_34 : vector<1x1000x64xf32> to vector<1000x64xf32>
    %get3A_36 = arith.constant 1 : index
    %get3A_37 = arith.constant 0 : index
    %get3A_38 = arith.constant 0 : index
    %get3A_39 = vector.load %arg1[%get3A_36, %get3A_37, %get3A_38] : memref<2x1000x64xf32, #tpu.memory_space<vmem>>, vector<1x1000x64xf32>
    %get3A_40 = vector.shape_cast %get3A_39 : vector<1x1000x64xf32> to vector<1000x64xf32>
    %add3A_41 = arith.addf %get3A_35, %get3A_40 : vector<1000x64xf32>
    %mul3A = vector.broadcast %slice3A_30 : vector<1000x1xf32> to vector<1000x64xf32>
    %mul3A_42 = arith.mulf %add3A_41, %mul3A : vector<1000x64xf32>
    %get3A_43 = arith.constant 0 : index
    %get3A_44 = arith.constant 0 : index
    %get3A_45 = vector.load %arg3[%get3A_43, %get3A_44] : memref<1x64xf32, #tpu.memory_space<vmem>>, vector<1x64xf32>
    %add3A_46 = vector.broadcast %get3A_45 : vector<1x64xf32> to vector<1000x64xf32>
    %add3A_47 = arith.addf %mul3A_42, %add3A_46 : vector<1000x64xf32>
    %max3A_48 = arith.constant 0.000000e+00 : f32
    %max3A_49 = vector.broadcast %max3A_48 : f32 to vector<1000x64xf32>
    %max3A_50 = arith.maximumf %add3A_47, %max3A_49 : vector<1000x64xf32>
    %mul3A_51 = vector.broadcast %slice3A : vector<1000x1xf32> to vector<1000x64xf32>
    %mul3A_52 = arith.mulf %max3A_50, %mul3A_51 : vector<1000x64xf32>
    %get3A_53 = arith.constant 0 : index
    %get3A_54 = arith.constant 0 : index
    %get3A_55 = vector.load %arg4[%get3A_53, %get3A_54] : memref<64x128xf32, #tpu.memory_space<vmem>>, vector<64x128xf32>
    %dot_general3A = arith.constant dense<0.000000e+00> : vector<1000x128xf32>
    %dot_general3A_56 = tpu.matmul %mul3A_52, %get3A_55, %dot_general3A {dimension_numbers = #tpu.dot_dimension_numbers<[1], [0], [0], [1], [0, 0, 1, 1], [], []>, transpose_lhs_hint = false} : vector<1000x64xf32>, vector<64x128xf32>, vector<1000x128xf32> -> vector<1000x128xf32>
    %swap3A = arith.constant 0 : index
    %swap3A_57 = arith.constant 0 : index
    %swap3A_58 = vector.load %arg5[%swap3A, %swap3A_57] : memref<1000x128xf32, #tpu.memory_space<vmem>>, vector<1000x128xf32>
    tpu.vector_store %arg5[%swap3A, %swap3A_57], %dot_general3A_56 {strides = array<i32>} : memref<1000x128xf32, #tpu.memory_space<vmem>>, vector<1000x128xf32>,
    return
  }
  func.func @transform_0(%arg0: i32) -> (i32, i32, i32) {
    %c0_i32 = arith.constant 0 : i32
    %c0_i32_0 = arith.constant 0 : i32
    %c0_i32_1 = arith.constant 0 : i32
    return %c0_i32, %arg0, %c0_i32_0 : i32, i32, i32
  }
  func.func @transform_1(%arg0: i32) -> (i32, i32, i32, i32) {
    %c0_i32 = arith.constant 0 : i32
    %c0_i32_0 = arith.constant 0 : i32
    %c0_i32_1 = arith.constant 0 : i32
    %c0_i32_2 = arith.constant 0 : i32
    return %c0_i32, %c0_i32_0, %arg0, %c0_i32_1 : i32, i32, i32, i32
  }
  func.func @transform_2(%arg0: i32) -> (i32, i32) {
    %c0_i32 = arith.constant 0 : i32
    %c0_i32_0 = arith.constant 0 : i32
    %c0_i32_1 = arith.constant 0 : i32
    return %c0_i32, %c0_i32_0 : i32, i32
  }
  func.func @transform_3(%arg0: i32) -> (i32, i32) {
    %c0_i32 = arith.constant 0 : i32
    %c0_i32_0 = arith.constant 0 : i32
    %c0_i32_1 = arith.constant 0 : i32
    return %c0_i32, %c0_i32_0 : i32, i32
  }
  func.func @transform_4(%arg0: i32) -> (i32, i32) {
    %c0_i32 = arith.constant 0 : i32
    %c0_i32_0 = arith.constant 0 : i32
    return %arg0, %c0_i32 : i32, i32
  }
}

module attributes {stable_mosaic.version = 14 : i64} {
  func.func @_lstm_body(%arg0: i32, %arg1: memref<2x1000x128xf32, #tpu.memory_space<vmem>>, %arg2: memref<2x2x1000x16xf32, #tpu.memory_space<vmem>>, %arg3: memref<1x128xf32, #tpu.memory_space<vmem>>, %arg4: memref<128x256xf32, #tpu.memory_space<vmem>>, %arg5: memref<8x32xf32, #tpu.memory_space<vmem>>, %arg6: memref<1x32xf32, #tpu.memory_space<vmem>>, %arg7: memref<8x4xf32, #tpu.memory_space<vmem>>, %arg8: memref<1x4xf32, #tpu.memory_space<vmem>>, %arg9: memref<1x8xf32, #tpu.memory_space<vmem>>, %arg10: memref<1x4xf32, #tpu.memory_space<vmem>>) attributes {dimension_semantics = [#tpu.dimension_semantics<arbitrary>], iteration_bounds = array<i64: 10>, scalar_prefetch = 0 : i64, scratch_operands = 0 : i64, tpu.core_type = #tpu.core_type<tc>, window_params = [{transform_indices = @transform_0, window_bounds = array<i64: 2, 1000, 128>}, {transform_indices = @transform_1, window_bounds = array<i64: 2, 2, 1000, 16>}, {pipeline_mode = #tpu.pipeline_mode<synchronous>, transform_indices = @transform_2, window_bounds = array<i64: 1, 128>}, {pipeline_mode = #tpu.pipeline_mode<synchronous>, transform_indices = @transform_3, window_bounds = array<i64: 128, 256>}, {pipeline_mode = #tpu.pipeline_mode<synchronous>, transform_indices = @transform_4, window_bounds = array<i64: 8, 32>}, {pipeline_mode = #tpu.pipeline_mode<synchronous>, transform_indices = @transform_5, window_bounds = array<i64: 1, 32>}, {pipeline_mode = #tpu.pipeline_mode<synchronous>, transform_indices = @transform_6, window_bounds = array<i64: 8, 4>}, {pipeline_mode = #tpu.pipeline_mode<synchronous>, transform_indices = @transform_7, window_bounds = array<i64: 1, 4>}, {pipeline_mode = #tpu.pipeline_mode<synchronous>, transform_indices = @transform_8, window_bounds = array<i64: 1, 8>}, {pipeline_mode = #tpu.pipeline_mode<synchronous>, transform_indices = @transform_9, window_bounds = array<i64: 1, 4>}]} {
    %get3A = arith.constant 0 : index
    %get3A_0 = arith.constant 1 : index
    %get3A_1 = arith.constant 0 : index
    %get3A_2 = arith.constant 0 : index
    %get3A_3 = vector.load %arg2[%get3A, %get3A_0, %get3A_1, %get3A_2] : memref<2x2x1000x16xf32, #tpu.memory_space<vmem>>, vector<1x1x1000x16xf32>
    %get3A_4 = vector.shape_cast %get3A_3 : vector<1x1x1000x16xf32> to vector<1000x16xf32>
    %get3A_5 = arith.constant 1 : index
    %get3A_6 = arith.constant 1 : index
    %get3A_7 = arith.constant 0 : index
    %get3A_8 = arith.constant 0 : index
    %get3A_9 = vector.load %arg2[%get3A_5, %get3A_6, %get3A_7, %get3A_8] : memref<2x2x1000x16xf32, #tpu.memory_space<vmem>>, vector<1x1x1000x16xf32>
    %get3A_10 = vector.shape_cast %get3A_9 : vector<1x1x1000x16xf32> to vector<1000x16xf32>
    %add3A = arith.addf %get3A_4, %get3A_10 : vector<1000x16xf32>
    %max3A = arith.constant 1.000000e+00 : f32
    %max3A_11 = vector.broadcast %max3A : f32 to vector<1000x16xf32>
    %max3A_12 = arith.maximumf %add3A, %max3A_11 : vector<1000x16xf32>
    %rsqrt3A = math.rsqrt %max3A_12 : vector<1000x16xf32>
    %slice3A = vector.extract_strided_slice %rsqrt3A {offsets = [0, 0], sizes = [1000, 1], strides = [1, 1]} : vector<1000x16xf32> to vector<1000x1xf32>
    %get3A_13 = arith.constant 0 : index
    %get3A_14 = arith.constant 0 : index
    %get3A_15 = arith.constant 0 : index
    %get3A_16 = vector.load %arg1[%get3A_13, %get3A_14, %get3A_15] : memref<2x1000x128xf32, #tpu.memory_space<vmem>>, vector<1x1000x128xf32>
    %get3A_17 = vector.shape_cast %get3A_16 : vector<1x1000x128xf32> to vector<1000x128xf32>
    %get3A_18 = arith.constant 1 : index
    %get3A_19 = arith.constant 0 : index
    %get3A_20 = arith.constant 0 : index
    %get3A_21 = vector.load %arg1[%get3A_18, %get3A_19, %get3A_20] : memref<2x1000x128xf32, #tpu.memory_space<vmem>>, vector<1x1000x128xf32>
    %get3A_22 = vector.shape_cast %get3A_21 : vector<1x1000x128xf32> to vector<1000x128xf32>
    %add3A_23 = arith.addf %get3A_17, %get3A_22 : vector<1000x128xf32>
    %mul3A = vector.broadcast %slice3A : vector<1000x1xf32> to vector<1000x128xf32>
    %mul3A_24 = arith.mulf %add3A_23, %mul3A : vector<1000x128xf32>
    %get3A_25 = arith.constant 0 : index
    %get3A_26 = arith.constant 0 : index
    %get3A_27 = vector.load %arg3[%get3A_25, %get3A_26] : memref<1x128xf32, #tpu.memory_space<vmem>>, vector<1x128xf32>
    %add3A_28 = vector.broadcast %get3A_27 : vector<1x128xf32> to vector<1000x128xf32>
    %add3A_29 = arith.addf %mul3A_24, %add3A_28 : vector<1000x128xf32>
    %max3A_30 = arith.constant 0.000000e+00 : f32
    %max3A_31 = vector.broadcast %max3A_30 : f32 to vector<1000x128xf32>
    %max3A_32 = arith.maximumf %add3A_29, %max3A_31 : vector<1000x128xf32>
    %get3A_33 = arith.constant 0 : index
    %get3A_34 = arith.constant 0 : index
    %get3A_35 = vector.load %arg4[%get3A_33, %get3A_34] : memref<128x256xf32, #tpu.memory_space<vmem>>, vector<128x256xf32>
    %dot_general3A = arith.constant dense<0.000000e+00> : vector<1000x256xf32>
    %dot_general3A_36 = tpu.matmul %max3A_32, %get3A_35, %dot_general3A {dimension_numbers = #tpu.dot_dimension_numbers<[1], [0], [0], [1], [0, 0, 1, 1], [], []>, transpose_lhs_hint = false} : vector<1000x128xf32>, vector<128x256xf32>, vector<1000x256xf32> -> vector<1000x256xf32>
    %get3A_37 = arith.constant 0 : index
    %get3A_38 = arith.constant 0 : index
    %get3A_39 = vector.load %arg5[%get3A_37, %get3A_38] : memref<8x32xf32, #tpu.memory_space<vmem>>, vector<8x32xf32>
    %get3A_40 = arith.constant 0 : index
    %get3A_41 = arith.constant 0 : index
    %get3A_42 = vector.load %arg6[%get3A_40, %get3A_41] : memref<1x32xf32, #tpu.memory_space<vmem>>, vector<1x32xf32>
    %broadcast_in_dim3A = arith.constant 0.000000e+00 : f32
    %broadcast_in_dim3A_43 = vector.broadcast %broadcast_in_dim3A : f32 to vector<1000x8xf32>
    %broadcast_in_dim3A_44 = arith.constant 0.000000e+00 : f32
    %broadcast_in_dim3A_45 = vector.broadcast %broadcast_in_dim3A_44 : f32 to vector<1000x8xf32>
    %slice3A_46 = vector.extract_strided_slice %dot_general3A_36 {offsets = [0, 0], sizes = [1000, 32], strides = [1, 1]} : vector<1000x256xf32> to vector<1000x32xf32>
    %dot_general3A_47 = arith.constant dense<0.000000e+00> : vector<1000x32xf32>
    %dot_general3A_48 = tpu.matmul %broadcast_in_dim3A_43, %get3A_39, %dot_general3A_47 {dimension_numbers = #tpu.dot_dimension_numbers<[1], [0], [0], [1], [0, 0, 1, 1], [], []>, transpose_lhs_hint = false} : vector<1000x8xf32>, vector<8x32xf32>, vector<1000x32xf32> -> vector<1000x32xf32>
    %add3A_49 = arith.addf %slice3A_46, %dot_general3A_48 : vector<1000x32xf32>
    %add3A_50 = vector.broadcast %get3A_42 : vector<1x32xf32> to vector<1000x32xf32>
    %add3A_51 = arith.addf %add3A_49, %add3A_50 : vector<1000x32xf32>
    %slice3A_52 = vector.extract_strided_slice %add3A_51 {offsets = [0, 0], sizes = [1000, 8], strides = [1, 1]} : vector<1000x32xf32> to vector<1000x8xf32>
    %logistic3A = arith.negf %slice3A_52 : vector<1000x8xf32>
    %logistic3A_53 = math.exp %logistic3A : vector<1000x8xf32>
    %logistic3A_54 = arith.constant 1.000000e+00 : f32
    %logistic3A_55 = vector.broadcast %logistic3A_54 : f32 to vector<1000x8xf32>
    %logistic3A_56 = arith.addf %logistic3A_55, %logistic3A_53 : vector<1000x8xf32>
    %logistic3A_57 = arith.divf %logistic3A_55, %logistic3A_56 : vector<1000x8xf32>
    %slice3A_58 = vector.extract_strided_slice %add3A_51 {offsets = [0, 8], sizes = [1000, 8], strides = [1, 1]} : vector<1000x32xf32> to vector<1000x8xf32>
    %logistic3A_59 = arith.negf %slice3A_58 : vector<1000x8xf32>
    %logistic3A_60 = math.exp %logistic3A_59 : vector<1000x8xf32>
    %logistic3A_61 = arith.constant 1.000000e+00 : f32
    %logistic3A_62 = vector.broadcast %logistic3A_61 : f32 to vector<1000x8xf32>
    %logistic3A_63 = arith.addf %logistic3A_62, %logistic3A_60 : vector<1000x8xf32>
    %logistic3A_64 = arith.divf %logistic3A_62, %logistic3A_63 : vector<1000x8xf32>
    %slice3A_65 = vector.extract_strided_slice %add3A_51 {offsets = [0, 16], sizes = [1000, 8], strides = [1, 1]} : vector<1000x32xf32> to vector<1000x8xf32>
    %tanh3A = math.tanh %slice3A_65 : vector<1000x8xf32>
    %slice3A_66 = vector.extract_strided_slice %add3A_51 {offsets = [0, 24], sizes = [1000, 8], strides = [1, 1]} : vector<1000x32xf32> to vector<1000x8xf32>
    %logistic3A_67 = arith.negf %slice3A_66 : vector<1000x8xf32>
    %logistic3A_68 = math.exp %logistic3A_67 : vector<1000x8xf32>
    %logistic3A_69 = arith.constant 1.000000e+00 : f32
    %logistic3A_70 = vector.broadcast %logistic3A_69 : f32 to vector<1000x8xf32>
    %logistic3A_71 = arith.addf %logistic3A_70, %logistic3A_68 : vector<1000x8xf32>
    %logistic3A_72 = arith.divf %logistic3A_70, %logistic3A_71 : vector<1000x8xf32>
    %mul3A_73 = arith.mulf %logistic3A_64, %broadcast_in_dim3A_45 : vector<1000x8xf32>
    %mul3A_74 = arith.mulf %logistic3A_57, %tanh3A : vector<1000x8xf32>
    %add3A_75 = arith.addf %mul3A_73, %mul3A_74 : vector<1000x8xf32>
    %tanh3A_76 = math.tanh %add3A_75 : vector<1000x8xf32>
    %mul3A_77 = arith.mulf %logistic3A_72, %tanh3A_76 : vector<1000x8xf32>
    %slice3A_78 = vector.extract_strided_slice %dot_general3A_36 {offsets = [0, 32], sizes = [1000, 32], strides = [1, 1]} : vector<1000x256xf32> to vector<1000x32xf32>
    %dot_general3A_79 = arith.constant dense<0.000000e+00> : vector<1000x32xf32>
    %dot_general3A_80 = tpu.matmul %mul3A_77, %get3A_39, %dot_general3A_79 {dimension_numbers = #tpu.dot_dimension_numbers<[1], [0], [0], [1], [0, 0, 1, 1], [], []>, transpose_lhs_hint = false} : vector<1000x8xf32>, vector<8x32xf32>, vector<1000x32xf32> -> vector<1000x32xf32>
    %add3A_81 = arith.addf %slice3A_78, %dot_general3A_80 : vector<1000x32xf32>
    %add3A_82 = vector.broadcast %get3A_42 : vector<1x32xf32> to vector<1000x32xf32>
    %add3A_83 = arith.addf %add3A_81, %add3A_82 : vector<1000x32xf32>
    %slice3A_84 = vector.extract_strided_slice %add3A_83 {offsets = [0, 0], sizes = [1000, 8], strides = [1, 1]} : vector<1000x32xf32> to vector<1000x8xf32>
    %logistic3A_85 = arith.negf %slice3A_84 : vector<1000x8xf32>
    %logistic3A_86 = math.exp %logistic3A_85 : vector<1000x8xf32>
    %logistic3A_87 = arith.constant 1.000000e+00 : f32
    %logistic3A_88 = vector.broadcast %logistic3A_87 : f32 to vector<1000x8xf32>
    %logistic3A_89 = arith.addf %logistic3A_88, %logistic3A_86 : vector<1000x8xf32>
    %logistic3A_90 = arith.divf %logistic3A_88, %logistic3A_89 : vector<1000x8xf32>
    %slice3A_91 = vector.extract_strided_slice %add3A_83 {offsets = [0, 8], sizes = [1000, 8], strides = [1, 1]} : vector<1000x32xf32> to vector<1000x8xf32>
    %logistic3A_92 = arith.negf %slice3A_91 : vector<1000x8xf32>
    %logistic3A_93 = math.exp %logistic3A_92 : vector<1000x8xf32>
    %logistic3A_94 = arith.constant 1.000000e+00 : f32
    %logistic3A_95 = vector.broadcast %logistic3A_94 : f32 to vector<1000x8xf32>
    %logistic3A_96 = arith.addf %logistic3A_95, %logistic3A_93 : vector<1000x8xf32>
    %logistic3A_97 = arith.divf %logistic3A_95, %logistic3A_96 : vector<1000x8xf32>
    %slice3A_98 = vector.extract_strided_slice %add3A_83 {offsets = [0, 16], sizes = [1000, 8], strides = [1, 1]} : vector<1000x32xf32> to vector<1000x8xf32>
    %tanh3A_99 = math.tanh %slice3A_98 : vector<1000x8xf32>
    %slice3A_100 = vector.extract_strided_slice %add3A_83 {offsets = [0, 24], sizes = [1000, 8], strides = [1, 1]} : vector<1000x32xf32> to vector<1000x8xf32>
    %logistic3A_101 = arith.negf %slice3A_100 : vector<1000x8xf32>
    %logistic3A_102 = math.exp %logistic3A_101 : vector<1000x8xf32>
    %logistic3A_103 = arith.constant 1.000000e+00 : f32
    %logistic3A_104 = vector.broadcast %logistic3A_103 : f32 to vector<1000x8xf32>
    %logistic3A_105 = arith.addf %logistic3A_104, %logistic3A_102 : vector<1000x8xf32>
    %logistic3A_106 = arith.divf %logistic3A_104, %logistic3A_105 : vector<1000x8xf32>
    %mul3A_107 = arith.mulf %logistic3A_97, %add3A_75 : vector<1000x8xf32>
    %mul3A_108 = arith.mulf %logistic3A_90, %tanh3A_99 : vector<1000x8xf32>
    %add3A_109 = arith.addf %mul3A_107, %mul3A_108 : vector<1000x8xf32>
    %tanh3A_110 = math.tanh %add3A_109 : vector<1000x8xf32>
    %mul3A_111 = arith.mulf %logistic3A_106, %tanh3A_110 : vector<1000x8xf32>
    %slice3A_112 = vector.extract_strided_slice %dot_general3A_36 {offsets = [0, 64], sizes = [1000, 32], strides = [1, 1]} : vector<1000x256xf32> to vector<1000x32xf32>
    %dot_general3A_113 = arith.constant dense<0.000000e+00> : vector<1000x32xf32>
    %dot_general3A_114 = tpu.matmul %mul3A_111, %get3A_39, %dot_general3A_113 {dimension_numbers = #tpu.dot_dimension_numbers<[1], [0], [0], [1], [0, 0, 1, 1], [], []>, transpose_lhs_hint = false} : vector<1000x8xf32>, vector<8x32xf32>, vector<1000x32xf32> -> vector<1000x32xf32>
    %add3A_115 = arith.addf %slice3A_112, %dot_general3A_114 : vector<1000x32xf32>
    %add3A_116 = vector.broadcast %get3A_42 : vector<1x32xf32> to vector<1000x32xf32>
    %add3A_117 = arith.addf %add3A_115, %add3A_116 : vector<1000x32xf32>
    %slice3A_118 = vector.extract_strided_slice %add3A_117 {offsets = [0, 0], sizes = [1000, 8], strides = [1, 1]} : vector<1000x32xf32> to vector<1000x8xf32>
    %logistic3A_119 = arith.negf %slice3A_118 : vector<1000x8xf32>
    %logistic3A_120 = math.exp %logistic3A_119 : vector<1000x8xf32>
    %logistic3A_121 = arith.constant 1.000000e+00 : f32
    %logistic3A_122 = vector.broadcast %logistic3A_121 : f32 to vector<1000x8xf32>
    %logistic3A_123 = arith.addf %logistic3A_122, %logistic3A_120 : vector<1000x8xf32>
    %logistic3A_124 = arith.divf %logistic3A_122, %logistic3A_123 : vector<1000x8xf32>
    %slice3A_125 = vector.extract_strided_slice %add3A_117 {offsets = [0, 8], sizes = [1000, 8], strides = [1, 1]} : vector<1000x32xf32> to vector<1000x8xf32>
    %logistic3A_126 = arith.negf %slice3A_125 : vector<1000x8xf32>
    %logistic3A_127 = math.exp %logistic3A_126 : vector<1000x8xf32>
    %logistic3A_128 = arith.constant 1.000000e+00 : f32
    %logistic3A_129 = vector.broadcast %logistic3A_128 : f32 to vector<1000x8xf32>
    %logistic3A_130 = arith.addf %logistic3A_129, %logistic3A_127 : vector<1000x8xf32>
    %logistic3A_131 = arith.divf %logistic3A_129, %logistic3A_130 : vector<1000x8xf32>
    %slice3A_132 = vector.extract_strided_slice %add3A_117 {offsets = [0, 16], sizes = [1000, 8], strides = [1, 1]} : vector<1000x32xf32> to vector<1000x8xf32>
    %tanh3A_133 = math.tanh %slice3A_132 : vector<1000x8xf32>
    %slice3A_134 = vector.extract_strided_slice %add3A_117 {offsets = [0, 24], sizes = [1000, 8], strides = [1, 1]} : vector<1000x32xf32> to vector<1000x8xf32>
    %logistic3A_135 = arith.negf %slice3A_134 : vector<1000x8xf32>
    %logistic3A_136 = math.exp %logistic3A_135 : vector<1000x8xf32>
    %logistic3A_137 = arith.constant 1.000000e+00 : f32
    %logistic3A_138 = vector.broadcast %logistic3A_137 : f32 to vector<1000x8xf32>
    %logistic3A_139 = arith.addf %logistic3A_138, %logistic3A_136 : vector<1000x8xf32>
    %logistic3A_140 = arith.divf %logistic3A_138, %logistic3A_139 : vector<1000x8xf32>
    %mul3A_141 = arith.mulf %logistic3A_131, %add3A_109 : vector<1000x8xf32>
    %mul3A_142 = arith.mulf %logistic3A_124, %tanh3A_133 : vector<1000x8xf32>
    %add3A_143 = arith.addf %mul3A_141, %mul3A_142 : vector<1000x8xf32>
    %tanh3A_144 = math.tanh %add3A_143 : vector<1000x8xf32>
    %mul3A_145 = arith.mulf %logistic3A_140, %tanh3A_144 : vector<1000x8xf32>
    %slice3A_146 = vector.extract_strided_slice %dot_general3A_36 {offsets = [0, 96], sizes = [1000, 32], strides = [1, 1]} : vector<1000x256xf32> to vector<1000x32xf32>
    %dot_general3A_147 = arith.constant dense<0.000000e+00> : vector<1000x32xf32>
    %dot_general3A_148 = tpu.matmul %mul3A_145, %get3A_39, %dot_general3A_147 {dimension_numbers = #tpu.dot_dimension_numbers<[1], [0], [0], [1], [0, 0, 1, 1], [], []>, transpose_lhs_hint = false} : vector<1000x8xf32>, vector<8x32xf32>, vector<1000x32xf32> -> vector<1000x32xf32>
    %add3A_149 = arith.addf %slice3A_146, %dot_general3A_148 : vector<1000x32xf32>
    %add3A_150 = vector.broadcast %get3A_42 : vector<1x32xf32> to vector<1000x32xf32>
    %add3A_151 = arith.addf %add3A_149, %add3A_150 : vector<1000x32xf32>
    %slice3A_152 = vector.extract_strided_slice %add3A_151 {offsets = [0, 0], sizes = [1000, 8], strides = [1, 1]} : vector<1000x32xf32> to vector<1000x8xf32>
    %logistic3A_153 = arith.negf %slice3A_152 : vector<1000x8xf32>
    %logistic3A_154 = math.exp %logistic3A_153 : vector<1000x8xf32>
    %logistic3A_155 = arith.constant 1.000000e+00 : f32
    %logistic3A_156 = vector.broadcast %logistic3A_155 : f32 to vector<1000x8xf32>
    %logistic3A_157 = arith.addf %logistic3A_156, %logistic3A_154 : vector<1000x8xf32>
    %logistic3A_158 = arith.divf %logistic3A_156, %logistic3A_157 : vector<1000x8xf32>
    %slice3A_159 = vector.extract_strided_slice %add3A_151 {offsets = [0, 8], sizes = [1000, 8], strides = [1, 1]} : vector<1000x32xf32> to vector<1000x8xf32>
    %logistic3A_160 = arith.negf %slice3A_159 : vector<1000x8xf32>
    %logistic3A_161 = math.exp %logistic3A_160 : vector<1000x8xf32>
    %logistic3A_162 = arith.constant 1.000000e+00 : f32
    %logistic3A_163 = vector.broadcast %logistic3A_162 : f32 to vector<1000x8xf32>
    %logistic3A_164 = arith.addf %logistic3A_163, %logistic3A_161 : vector<1000x8xf32>
    %logistic3A_165 = arith.divf %logistic3A_163, %logistic3A_164 : vector<1000x8xf32>
    %slice3A_166 = vector.extract_strided_slice %add3A_151 {offsets = [0, 16], sizes = [1000, 8], strides = [1, 1]} : vector<1000x32xf32> to vector<1000x8xf32>
    %tanh3A_167 = math.tanh %slice3A_166 : vector<1000x8xf32>
    %slice3A_168 = vector.extract_strided_slice %add3A_151 {offsets = [0, 24], sizes = [1000, 8], strides = [1, 1]} : vector<1000x32xf32> to vector<1000x8xf32>
    %logistic3A_169 = arith.negf %slice3A_168 : vector<1000x8xf32>
    %logistic3A_170 = math.exp %logistic3A_169 : vector<1000x8xf32>
    %logistic3A_171 = arith.constant 1.000000e+00 : f32
    %logistic3A_172 = vector.broadcast %logistic3A_171 : f32 to vector<1000x8xf32>
    %logistic3A_173 = arith.addf %logistic3A_172, %logistic3A_170 : vector<1000x8xf32>
    %logistic3A_174 = arith.divf %logistic3A_172, %logistic3A_173 : vector<1000x8xf32>
    %mul3A_175 = arith.mulf %logistic3A_165, %add3A_143 : vector<1000x8xf32>
    %mul3A_176 = arith.mulf %logistic3A_158, %tanh3A_167 : vector<1000x8xf32>
    %add3A_177 = arith.addf %mul3A_175, %mul3A_176 : vector<1000x8xf32>
    %tanh3A_178 = math.tanh %add3A_177 : vector<1000x8xf32>
    %mul3A_179 = arith.mulf %logistic3A_174, %tanh3A_178 : vector<1000x8xf32>
    %slice3A_180 = vector.extract_strided_slice %dot_general3A_36 {offsets = [0, 128], sizes = [1000, 32], strides = [1, 1]} : vector<1000x256xf32> to vector<1000x32xf32>
    %dot_general3A_181 = arith.constant dense<0.000000e+00> : vector<1000x32xf32>
    %dot_general3A_182 = tpu.matmul %mul3A_179, %get3A_39, %dot_general3A_181 {dimension_numbers = #tpu.dot_dimension_numbers<[1], [0], [0], [1], [0, 0, 1, 1], [], []>, transpose_lhs_hint = false} : vector<1000x8xf32>, vector<8x32xf32>, vector<1000x32xf32> -> vector<1000x32xf32>
    %add3A_183 = arith.addf %slice3A_180, %dot_general3A_182 : vector<1000x32xf32>
    %add3A_184 = vector.broadcast %get3A_42 : vector<1x32xf32> to vector<1000x32xf32>
    %add3A_185 = arith.addf %add3A_183, %add3A_184 : vector<1000x32xf32>
    %slice3A_186 = vector.extract_strided_slice %add3A_185 {offsets = [0, 0], sizes = [1000, 8], strides = [1, 1]} : vector<1000x32xf32> to vector<1000x8xf32>
    %logistic3A_187 = arith.negf %slice3A_186 : vector<1000x8xf32>
    %logistic3A_188 = math.exp %logistic3A_187 : vector<1000x8xf32>
    %logistic3A_189 = arith.constant 1.000000e+00 : f32
    %logistic3A_190 = vector.broadcast %logistic3A_189 : f32 to vector<1000x8xf32>
    %logistic3A_191 = arith.addf %logistic3A_190, %logistic3A_188 : vector<1000x8xf32>
    %logistic3A_192 = arith.divf %logistic3A_190, %logistic3A_191 : vector<1000x8xf32>
    %slice3A_193 = vector.extract_strided_slice %add3A_185 {offsets = [0, 8], sizes = [1000, 8], strides = [1, 1]} : vector<1000x32xf32> to vector<1000x8xf32>
    %logistic3A_194 = arith.negf %slice3A_193 : vector<1000x8xf32>
    %logistic3A_195 = math.exp %logistic3A_194 : vector<1000x8xf32>
    %logistic3A_196 = arith.constant 1.000000e+00 : f32
    %logistic3A_197 = vector.broadcast %logistic3A_196 : f32 to vector<1000x8xf32>
    %logistic3A_198 = arith.addf %logistic3A_197, %logistic3A_195 : vector<1000x8xf32>
    %logistic3A_199 = arith.divf %logistic3A_197, %logistic3A_198 : vector<1000x8xf32>
    %slice3A_200 = vector.extract_strided_slice %add3A_185 {offsets = [0, 16], sizes = [1000, 8], strides = [1, 1]} : vector<1000x32xf32> to vector<1000x8xf32>
    %tanh3A_201 = math.tanh %slice3A_200 : vector<1000x8xf32>
    %slice3A_202 = vector.extract_strided_slice %add3A_185 {offsets = [0, 24], sizes = [1000, 8], strides = [1, 1]} : vector<1000x32xf32> to vector<1000x8xf32>
    %logistic3A_203 = arith.negf %slice3A_202 : vector<1000x8xf32>
    %logistic3A_204 = math.exp %logistic3A_203 : vector<1000x8xf32>
    %logistic3A_205 = arith.constant 1.000000e+00 : f32
    %logistic3A_206 = vector.broadcast %logistic3A_205 : f32 to vector<1000x8xf32>
    %logistic3A_207 = arith.addf %logistic3A_206, %logistic3A_204 : vector<1000x8xf32>
    %logistic3A_208 = arith.divf %logistic3A_206, %logistic3A_207 : vector<1000x8xf32>
    %mul3A_209 = arith.mulf %logistic3A_199, %add3A_177 : vector<1000x8xf32>
    %mul3A_210 = arith.mulf %logistic3A_192, %tanh3A_201 : vector<1000x8xf32>
    %add3A_211 = arith.addf %mul3A_209, %mul3A_210 : vector<1000x8xf32>
    %tanh3A_212 = math.tanh %add3A_211 : vector<1000x8xf32>
    %mul3A_213 = arith.mulf %logistic3A_208, %tanh3A_212 : vector<1000x8xf32>
    %slice3A_214 = vector.extract_strided_slice %dot_general3A_36 {offsets = [0, 160], sizes = [1000, 32], strides = [1, 1]} : vector<1000x256xf32> to vector<1000x32xf32>
    %dot_general3A_215 = arith.constant dense<0.000000e+00> : vector<1000x32xf32>
    %dot_general3A_216 = tpu.matmul %mul3A_213, %get3A_39, %dot_general3A_215 {dimension_numbers = #tpu.dot_dimension_numbers<[1], [0], [0], [1], [0, 0, 1, 1], [], []>, transpose_lhs_hint = false} : vector<1000x8xf32>, vector<8x32xf32>, vector<1000x32xf32> -> vector<1000x32xf32>
    %add3A_217 = arith.addf %slice3A_214, %dot_general3A_216 : vector<1000x32xf32>
    %add3A_218 = vector.broadcast %get3A_42 : vector<1x32xf32> to vector<1000x32xf32>
    %add3A_219 = arith.addf %add3A_217, %add3A_218 : vector<1000x32xf32>
    %slice3A_220 = vector.extract_strided_slice %add3A_219 {offsets = [0, 0], sizes = [1000, 8], strides = [1, 1]} : vector<1000x32xf32> to vector<1000x8xf32>
    %logistic3A_221 = arith.negf %slice3A_220 : vector<1000x8xf32>
    %logistic3A_222 = math.exp %logistic3A_221 : vector<1000x8xf32>
    %logistic3A_223 = arith.constant 1.000000e+00 : f32
    %logistic3A_224 = vector.broadcast %logistic3A_223 : f32 to vector<1000x8xf32>
    %logistic3A_225 = arith.addf %logistic3A_224, %logistic3A_222 : vector<1000x8xf32>
    %logistic3A_226 = arith.divf %logistic3A_224, %logistic3A_225 : vector<1000x8xf32>
    %slice3A_227 = vector.extract_strided_slice %add3A_219 {offsets = [0, 8], sizes = [1000, 8], strides = [1, 1]} : vector<1000x32xf32> to vector<1000x8xf32>
    %logistic3A_228 = arith.negf %slice3A_227 : vector<1000x8xf32>
    %logistic3A_229 = math.exp %logistic3A_228 : vector<1000x8xf32>
    %logistic3A_230 = arith.constant 1.000000e+00 : f32
    %logistic3A_231 = vector.broadcast %logistic3A_230 : f32 to vector<1000x8xf32>
    %logistic3A_232 = arith.addf %logistic3A_231, %logistic3A_229 : vector<1000x8xf32>
    %logistic3A_233 = arith.divf %logistic3A_231, %logistic3A_232 : vector<1000x8xf32>
    %slice3A_234 = vector.extract_strided_slice %add3A_219 {offsets = [0, 16], sizes = [1000, 8], strides = [1, 1]} : vector<1000x32xf32> to vector<1000x8xf32>
    %tanh3A_235 = math.tanh %slice3A_234 : vector<1000x8xf32>
    %slice3A_236 = vector.extract_strided_slice %add3A_219 {offsets = [0, 24], sizes = [1000, 8], strides = [1, 1]} : vector<1000x32xf32> to vector<1000x8xf32>
    %logistic3A_237 = arith.negf %slice3A_236 : vector<1000x8xf32>
    %logistic3A_238 = math.exp %logistic3A_237 : vector<1000x8xf32>
    %logistic3A_239 = arith.constant 1.000000e+00 : f32
    %logistic3A_240 = vector.broadcast %logistic3A_239 : f32 to vector<1000x8xf32>
    %logistic3A_241 = arith.addf %logistic3A_240, %logistic3A_238 : vector<1000x8xf32>
    %logistic3A_242 = arith.divf %logistic3A_240, %logistic3A_241 : vector<1000x8xf32>
    %mul3A_243 = arith.mulf %logistic3A_233, %add3A_211 : vector<1000x8xf32>
    %mul3A_244 = arith.mulf %logistic3A_226, %tanh3A_235 : vector<1000x8xf32>
    %add3A_245 = arith.addf %mul3A_243, %mul3A_244 : vector<1000x8xf32>
    %tanh3A_246 = math.tanh %add3A_245 : vector<1000x8xf32>
    %mul3A_247 = arith.mulf %logistic3A_242, %tanh3A_246 : vector<1000x8xf32>
    %slice3A_248 = vector.extract_strided_slice %dot_general3A_36 {offsets = [0, 192], sizes = [1000, 32], strides = [1, 1]} : vector<1000x256xf32> to vector<1000x32xf32>
    %dot_general3A_249 = arith.constant dense<0.000000e+00> : vector<1000x32xf32>
    %dot_general3A_250 = tpu.matmul %mul3A_247, %get3A_39, %dot_general3A_249 {dimension_numbers = #tpu.dot_dimension_numbers<[1], [0], [0], [1], [0, 0, 1, 1], [], []>, transpose_lhs_hint = false} : vector<1000x8xf32>, vector<8x32xf32>, vector<1000x32xf32> -> vector<1000x32xf32>
    %add3A_251 = arith.addf %slice3A_248, %dot_general3A_250 : vector<1000x32xf32>
    %add3A_252 = vector.broadcast %get3A_42 : vector<1x32xf32> to vector<1000x32xf32>
    %add3A_253 = arith.addf %add3A_251, %add3A_252 : vector<1000x32xf32>
    %slice3A_254 = vector.extract_strided_slice %add3A_253 {offsets = [0, 0], sizes = [1000, 8], strides = [1, 1]} : vector<1000x32xf32> to vector<1000x8xf32>
    %logistic3A_255 = arith.negf %slice3A_254 : vector<1000x8xf32>
    %logistic3A_256 = math.exp %logistic3A_255 : vector<1000x8xf32>
    %logistic3A_257 = arith.constant 1.000000e+00 : f32
    %logistic3A_258 = vector.broadcast %logistic3A_257 : f32 to vector<1000x8xf32>
    %logistic3A_259 = arith.addf %logistic3A_258, %logistic3A_256 : vector<1000x8xf32>
    %logistic3A_260 = arith.divf %logistic3A_258, %logistic3A_259 : vector<1000x8xf32>
    %slice3A_261 = vector.extract_strided_slice %add3A_253 {offsets = [0, 8], sizes = [1000, 8], strides = [1, 1]} : vector<1000x32xf32> to vector<1000x8xf32>
    %logistic3A_262 = arith.negf %slice3A_261 : vector<1000x8xf32>
    %logistic3A_263 = math.exp %logistic3A_262 : vector<1000x8xf32>
    %logistic3A_264 = arith.constant 1.000000e+00 : f32
    %logistic3A_265 = vector.broadcast %logistic3A_264 : f32 to vector<1000x8xf32>
    %logistic3A_266 = arith.addf %logistic3A_265, %logistic3A_263 : vector<1000x8xf32>
    %logistic3A_267 = arith.divf %logistic3A_265, %logistic3A_266 : vector<1000x8xf32>
    %slice3A_268 = vector.extract_strided_slice %add3A_253 {offsets = [0, 16], sizes = [1000, 8], strides = [1, 1]} : vector<1000x32xf32> to vector<1000x8xf32>
    %tanh3A_269 = math.tanh %slice3A_268 : vector<1000x8xf32>
    %slice3A_270 = vector.extract_strided_slice %add3A_253 {offsets = [0, 24], sizes = [1000, 8], strides = [1, 1]} : vector<1000x32xf32> to vector<1000x8xf32>
    %logistic3A_271 = arith.negf %slice3A_270 : vector<1000x8xf32>
    %logistic3A_272 = math.exp %logistic3A_271 : vector<1000x8xf32>
    %logistic3A_273 = arith.constant 1.000000e+00 : f32
    %logistic3A_274 = vector.broadcast %logistic3A_273 : f32 to vector<1000x8xf32>
    %logistic3A_275 = arith.addf %logistic3A_274, %logistic3A_272 : vector<1000x8xf32>
    %logistic3A_276 = arith.divf %logistic3A_274, %logistic3A_275 : vector<1000x8xf32>
    %mul3A_277 = arith.mulf %logistic3A_267, %add3A_245 : vector<1000x8xf32>
    %mul3A_278 = arith.mulf %logistic3A_260, %tanh3A_269 : vector<1000x8xf32>
    %add3A_279 = arith.addf %mul3A_277, %mul3A_278 : vector<1000x8xf32>
    %tanh3A_280 = math.tanh %add3A_279 : vector<1000x8xf32>
    %mul3A_281 = arith.mulf %logistic3A_276, %tanh3A_280 : vector<1000x8xf32>
    %slice3A_282 = vector.extract_strided_slice %dot_general3A_36 {offsets = [0, 224], sizes = [1000, 32], strides = [1, 1]} : vector<1000x256xf32> to vector<1000x32xf32>
    %dot_general3A_283 = arith.constant dense<0.000000e+00> : vector<1000x32xf32>
    %dot_general3A_284 = tpu.matmul %mul3A_281, %get3A_39, %dot_general3A_283 {dimension_numbers = #tpu.dot_dimension_numbers<[1], [0], [0], [1], [0, 0, 1, 1], [], []>, transpose_lhs_hint = false} : vector<1000x8xf32>, vector<8x32xf32>, vector<1000x32xf32> -> vector<1000x32xf32>
    %add3A_285 = arith.addf %slice3A_282, %dot_general3A_284 : vector<1000x32xf32>
    %add3A_286 = vector.broadcast %get3A_42 : vector<1x32xf32> to vector<1000x32xf32>
    %add3A_287 = arith.addf %add3A_285, %add3A_286 : vector<1000x32xf32>
    %slice3A_288 = vector.extract_strided_slice %add3A_287 {offsets = [0, 0], sizes = [1000, 8], strides = [1, 1]} : vector<1000x32xf32> to vector<1000x8xf32>
    %logistic3A_289 = arith.negf %slice3A_288 : vector<1000x8xf32>
    %logistic3A_290 = math.exp %logistic3A_289 : vector<1000x8xf32>
    %logistic3A_291 = arith.constant 1.000000e+00 : f32
    %logistic3A_292 = vector.broadcast %logistic3A_291 : f32 to vector<1000x8xf32>
    %logistic3A_293 = arith.addf %logistic3A_292, %logistic3A_290 : vector<1000x8xf32>
    %logistic3A_294 = arith.divf %logistic3A_292, %logistic3A_293 : vector<1000x8xf32>
    %slice3A_295 = vector.extract_strided_slice %add3A_287 {offsets = [0, 8], sizes = [1000, 8], strides = [1, 1]} : vector<1000x32xf32> to vector<1000x8xf32>
    %logistic3A_296 = arith.negf %slice3A_295 : vector<1000x8xf32>
    %logistic3A_297 = math.exp %logistic3A_296 : vector<1000x8xf32>
    %logistic3A_298 = arith.constant 1.000000e+00 : f32
    %logistic3A_299 = vector.broadcast %logistic3A_298 : f32 to vector<1000x8xf32>
    %logistic3A_300 = arith.addf %logistic3A_299, %logistic3A_297 : vector<1000x8xf32>
    %logistic3A_301 = arith.divf %logistic3A_299, %logistic3A_300 : vector<1000x8xf32>
    %slice3A_302 = vector.extract_strided_slice %add3A_287 {offsets = [0, 16], sizes = [1000, 8], strides = [1, 1]} : vector<1000x32xf32> to vector<1000x8xf32>
    %tanh3A_303 = math.tanh %slice3A_302 : vector<1000x8xf32>
    %slice3A_304 = vector.extract_strided_slice %add3A_287 {offsets = [0, 24], sizes = [1000, 8], strides = [1, 1]} : vector<1000x32xf32> to vector<1000x8xf32>
    %logistic3A_305 = arith.negf %slice3A_304 : vector<1000x8xf32>
    %logistic3A_306 = math.exp %logistic3A_305 : vector<1000x8xf32>
    %logistic3A_307 = arith.constant 1.000000e+00 : f32
    %logistic3A_308 = vector.broadcast %logistic3A_307 : f32 to vector<1000x8xf32>
    %logistic3A_309 = arith.addf %logistic3A_308, %logistic3A_306 : vector<1000x8xf32>
    %logistic3A_310 = arith.divf %logistic3A_308, %logistic3A_309 : vector<1000x8xf32>
    %mul3A_311 = arith.mulf %logistic3A_301, %add3A_279 : vector<1000x8xf32>
    %mul3A_312 = arith.mulf %logistic3A_294, %tanh3A_303 : vector<1000x8xf32>
    %add3A_313 = arith.addf %mul3A_311, %mul3A_312 : vector<1000x8xf32>
    %tanh3A_314 = math.tanh %add3A_313 : vector<1000x8xf32>
    %mul3A_315 = arith.mulf %logistic3A_310, %tanh3A_314 : vector<1000x8xf32>
    %reduce_max3A = arith.constant dense<0xFF800000> : vector<8xf32>
    %reduce_max3A_316 = vector.multi_reduction <maximumf>, %mul3A_315, %reduce_max3A [0] : vector<1000x8xf32> to vector<8xf32>
    %broadcast_in_dim3A_317 = vector.shape_cast %reduce_max3A_316 : vector<8xf32> to vector<1x8xf32>
    %eq3A = arith.constant 0 : i32
    %eq3A_318 = arith.cmpi eq, %arg0, %eq3A : i32
    %convert_element_type3A = arith.extui %eq3A_318 : i1 to i32
    %cond3A = arith.constant 0 : i32
    %cond3A_319 = arith.cmpi ne, %convert_element_type3A, %cond3A : i32
    scf.if %cond3A_319 {
      %swap3A = arith.constant 0 : index
      %swap3A_329 = arith.constant 0 : index
      %swap3A_330 = vector.load %arg9[%swap3A, %swap3A_329] : memref<1x8xf32, #tpu.memory_space<vmem>>, vector<1x8xf32>
      tpu.vector_store %arg9[%swap3A, %swap3A_329], %broadcast_in_dim3A_317 {strides = array<i32>} : memref<1x8xf32, #tpu.memory_space<vmem>>, vector<1x8xf32>,
    } else {
    }
    %gt3A = arith.constant 0 : i32
    %gt3A_320 = arith.cmpi sgt, %arg0, %gt3A : i32
    %convert_element_type3A_321 = arith.extui %gt3A_320 : i1 to i32
    %cond3A_322 = arith.constant 0 : i32
    %cond3A_323 = arith.cmpi ne, %convert_element_type3A_321, %cond3A_322 : i32
    scf.if %cond3A_323 {
      %get3A_329 = arith.constant 0 : index
      %get3A_330 = arith.constant 0 : index
      %get3A_331 = vector.load %arg9[%get3A_329, %get3A_330] : memref<1x8xf32, #tpu.memory_space<vmem>>, vector<1x8xf32>
      %max3A_332 = arith.maximumf %get3A_331, %broadcast_in_dim3A_317 : vector<1x8xf32>
      %swap3A = arith.constant 0 : index
      %swap3A_333 = arith.constant 0 : index
      %swap3A_334 = vector.load %arg9[%swap3A, %swap3A_333] : memref<1x8xf32, #tpu.memory_space<vmem>>, vector<1x8xf32>
      tpu.vector_store %arg9[%swap3A, %swap3A_333], %max3A_332 {strides = array<i32>} : memref<1x8xf32, #tpu.memory_space<vmem>>, vector<1x8xf32>,
    } else {
    }
    %eq3A_324 = arith.constant 9 : i32
    %eq3A_325 = arith.cmpi eq, %arg0, %eq3A_324 : i32
    %convert_element_type3A_326 = arith.extui %eq3A_325 : i1 to i32
    %cond3A_327 = arith.constant 0 : i32
    %cond3A_328 = arith.cmpi ne, %convert_element_type3A_326, %cond3A_327 : i32
    scf.if %cond3A_328 {
      %get3A_329 = arith.constant 0 : index
      %get3A_330 = arith.constant 0 : index
      %get3A_331 = vector.load %arg9[%get3A_329, %get3A_330] : memref<1x8xf32, #tpu.memory_space<vmem>>, vector<1x8xf32>
      %get3A_332 = arith.constant 0 : index
      %get3A_333 = arith.constant 0 : index
      %get3A_334 = vector.load %arg7[%get3A_332, %get3A_333] : memref<8x4xf32, #tpu.memory_space<vmem>>, vector<8x4xf32>
      %dot_general3A_335 = arith.constant dense<0.000000e+00> : vector<1x4xf32>
      %dot_general3A_336 = tpu.matmul %get3A_331, %get3A_334, %dot_general3A_335 {dimension_numbers = #tpu.dot_dimension_numbers<[1], [0], [0], [1], [0, 0, 1, 1], [], []>, transpose_lhs_hint = false} : vector<1x8xf32>, vector<8x4xf32>, vector<1x4xf32> -> vector<1x4xf32>
      %get3A_337 = arith.constant 0 : index
      %get3A_338 = arith.constant 0 : index
      %get3A_339 = vector.load %arg8[%get3A_337, %get3A_338] : memref<1x4xf32, #tpu.memory_space<vmem>>, vector<1x4xf32>
      %add3A_340 = arith.addf %dot_general3A_336, %get3A_339 : vector<1x4xf32>
      %logistic3A_341 = arith.negf %add3A_340 : vector<1x4xf32>
      %logistic3A_342 = math.exp %logistic3A_341 : vector<1x4xf32>
      %logistic3A_343 = arith.constant 1.000000e+00 : f32
      %logistic3A_344 = vector.broadcast %logistic3A_343 : f32 to vector<1x4xf32>
      %logistic3A_345 = arith.addf %logistic3A_344, %logistic3A_342 : vector<1x4xf32>
      %logistic3A_346 = arith.divf %logistic3A_344, %logistic3A_345 : vector<1x4xf32>
      %swap3A = arith.constant 0 : index
      %swap3A_347 = arith.constant 0 : index
      %swap3A_348 = vector.load %arg10[%swap3A, %swap3A_347] : memref<1x4xf32, #tpu.memory_space<vmem>>, vector<1x4xf32>
      tpu.vector_store %arg10[%swap3A, %swap3A_347], %logistic3A_346 {strides = array<i32>} : memref<1x4xf32, #tpu.memory_space<vmem>>, vector<1x4xf32>,
    } else {
    }
    return
  }
  func.func @transform_0(%arg0: i32) -> (i32, i32, i32) {
    %c0_i32 = arith.constant 0 : i32
    %c0_i32_0 = arith.constant 0 : i32
    %c0_i32_1 = arith.constant 0 : i32
    return %c0_i32, %arg0, %c0_i32_0 : i32, i32, i32
  }
  func.func @transform_1(%arg0: i32) -> (i32, i32, i32, i32) {
    %c0_i32 = arith.constant 0 : i32
    %c0_i32_0 = arith.constant 0 : i32
    %c0_i32_1 = arith.constant 0 : i32
    %c0_i32_2 = arith.constant 0 : i32
    return %c0_i32, %c0_i32_0, %arg0, %c0_i32_1 : i32, i32, i32, i32
  }
  func.func @transform_2(%arg0: i32) -> (i32, i32) {
    %c0_i32 = arith.constant 0 : i32
    %c0_i32_0 = arith.constant 0 : i32
    %c0_i32_1 = arith.constant 0 : i32
    return %c0_i32, %c0_i32_0 : i32, i32
  }
  func.func @transform_3(%arg0: i32) -> (i32, i32) {
    %c0_i32 = arith.constant 0 : i32
    %c0_i32_0 = arith.constant 0 : i32
    %c0_i32_1 = arith.constant 0 : i32
    return %c0_i32, %c0_i32_0 : i32, i32
  }
  func.func @transform_4(%arg0: i32) -> (i32, i32) {
    %c0_i32 = arith.constant 0 : i32
    %c0_i32_0 = arith.constant 0 : i32
    %c0_i32_1 = arith.constant 0 : i32
    return %c0_i32, %c0_i32_0 : i32, i32
  }
  func.func @transform_5(%arg0: i32) -> (i32, i32) {
    %c0_i32 = arith.constant 0 : i32
    %c0_i32_0 = arith.constant 0 : i32
    %c0_i32_1 = arith.constant 0 : i32
    return %c0_i32, %c0_i32_0 : i32, i32
  }
  func.func @transform_6(%arg0: i32) -> (i32, i32) {
    %c0_i32 = arith.constant 0 : i32
    %c0_i32_0 = arith.constant 0 : i32
    %c0_i32_1 = arith.constant 0 : i32
    return %c0_i32, %c0_i32_0 : i32, i32
  }
  func.func @transform_7(%arg0: i32) -> (i32, i32) {
    %c0_i32 = arith.constant 0 : i32
    %c0_i32_0 = arith.constant 0 : i32
    %c0_i32_1 = arith.constant 0 : i32
    return %c0_i32, %c0_i32_0 : i32, i32
  }
  func.func @transform_8(%arg0: i32) -> (i32, i32) {
    %c0_i32 = arith.constant 0 : i32
    %c0_i32_0 = arith.constant 0 : i32
    %c0_i32_1 = arith.constant 0 : i32
    return %c0_i32, %c0_i32_0 : i32, i32
  }
  func.func @transform_9(%arg0: i32) -> (i32, i32) {
    %c0_i32 = arith.constant 0 : i32
    %c0_i32_0 = arith.constant 0 : i32
    %c0_i32_1 = arith.constant 0 : i32
    return %c0_i32, %c0_i32_0 : i32, i32
  }
}

</mosaic_0001>

<sc_bundles>
// kernel: kernel.12.cloned.1.call-start
scs
__scs_entry_jumppad:
0x0: {  	(pc) =	sbr.rel $0x88, $3  }
0x1: {  	(tag) =	ssettag $0x0;
	lr =	simm.s32 $0x1  }
0x2: {  	[smem:$0x3F95] =	sst lr;
	_ =	strace $0xD0000000  }
0x3: {  	_ = 	snop  }
0x4: {  	_ = 	snop  }
0x5: {  	_ = 	snop  }
0x6: {  	_ = 	snop  }
0x7: {  	_ = 	snop  }
__scs_overlays_trampoline_lowered:
0x8: {  	[smem:$0x3FA4] =	sst s0  }
0x9: {  	[smem:$0x3FA5] =	sst s1  }
0xa: {  	[smem:$0x3FA6] =	sst s2  }
0xb: {  	[smem:$0x3FA7] =	sst s3  }
0xc: {  	[smem:$0x3FA8] =	sst s4  }
0xd: {  	[smem:$0x3FA9] =	sst s5  }
0xe: {  	[smem:$0x3FAA] =	sst s6  }
0xf: {  	[smem:$0x3FAB] =	sst s7  }
0x10: {  	[smem:$0x3FAC] =	sst s8  }
0x11: {  	[smem:$0x3FAD] =	sst s9;
	s0 =	simm.s32 @!p0 $0x0  }
0x12: {  	s1 =	sld [smem:$0x3F93];
	s0 =	simm.s32 @p0 $0x1  }
0x13: {  	[smem:$0x3FAE] =	sst s0;
	s0 =	simm.s32 @!p1 $0x0  }
0x14: {  	s2 =	sld [smem:$0x3F92];
	s0 =	simm.s32 @p1 $0x1  }
0x15: {  	[smem:$0x3FAF] =	sst s0;
	s0 =	simm.s32 @!p2 $0x0  }
0x16: {  	s3 =	sld [smem:$0x3FDB];
	s0 =	simm.s32 @p2 $0x1  }
0x17: {  	s4 =	simm.s32 $0x1BF5;
	[smem:$0x3FB1] =	sst s0  }
0x18: {  	s0 =	sld [smem:$0x3F94];
	_ =	swait.ge [sflag:s4], $0x0  }
0x19: {  	s7 =	sld [smem:$0x3F95]  }
0x1a: {  	s8 =	sadd.s32 $0xFFFFE003, lr  }
0x1b: {  	s9 =	sadd.s32 $0xFFFFFEF7, lr;
	s5 =	simm.s32 $0xFFFFFFFF;
	p2 =	slt.u32 s8, $0xFFFFF086  }
0x1c: {  	p1 =	slt.u32 s9, $0xF7A;
	s5 =	simm.s32 @!p2 $0x0  }
0x1d: {  	s5 =	simm.s32 @p1 $0x1;
	p0 =	seq.s32 s7, s2  }
0x1e: {  	s7 =	smul.u32 @!p0 $0xF7A, s2;
	p2 =	seq.s32 @!p0 s5, $0x0  }
0x1f: {  	s9 =	smul.u32 $0xF7A, s1;
	s8 =	simm.s32 @!p0 $0x1BF5;
	p2 =	por !p2, p0  }
0x20: {  	[sflag:s8] =	ssyncset.s32 @!p0 $0xFFFFF086;
	s6 =	sadd.s32 @!p0 s3, s7;
	s7 =	simm.s32 @!p0 $0x108  }
0x21: {  	s3 =	sadd.s32 s3, s9;
	s6 =	sadd.s32 @!p0 $0x88, s6;
	s7 =	simm.s32 @p2 $0x1082  }
0x22: {  	[simem:s7], [sflag:s8] =	dma.local @!p0 [hbm:s6], $0xF7A  }
0x23: {  	s9 =	sor.u32 $0xD0000000, s2;
	s6 =	simm.s32 $0x108;
	_ =	swait.ge @!p0 [sflag:s8], $0x0  }
0x24: {  	s3 =	sadd.s32 $0x88, s3;
	s6 =	simm.s32 @!p1 $0x1082;
	[sflag:s4] =	ssyncset.s32 $0xFFFFF086  }
0x25: {  	[simem:s6], [sflag:s4] =	dma.local [hbm:s3], $0xF7A  }
0x26: {  	[smem:$0x3F95] =	sst s1;
	(tag) =	ssettag s2;
	_ =	strace s9  }
0x27: {  	s1 =	sld [smem:$0x3FA5]  }
0x28: {  	s2 =	sld [smem:$0x3FA6]  }
0x29: {  	s4 =	sld [smem:$0x3FA8]  }
0x2a: {  	p0 =	seq.s32 s5, $0x0;
	s5 =	sld [smem:$0x3FA9]  }
0x2b: {  	s6 =	sld [smem:$0x3FAA]  }
0x2c: {  	s7 =	sld [smem:$0x3FAB]  }
0x2d: {  	s3 =	simm.s32 $0x108;
	s8 =	sld [smem:$0x3FAC]  }
0x2e: {  	s3 =	simm.s32 @!p0 $0x1082;
	s9 =	sld [smem:$0x3FAD]  }
0x2f: {  	lr =	sadd.s32 s0, s3;
	s0 =	sld [smem:$0x3FA4]  }
0x30: {  	s3 =	sld [smem:$0x3FA7]  }
0x31: {  	[smem:$0x3FB0] =	sst s10  }
0x32: {  	s10 =	sld [smem:$0x3FAE];
	_ =	sdelay $0x3  }
0x33: {  	p0 =	seq.s32 s10, $0x1;
	s10 =	sld [smem:$0x3FB0];
	_ =	sdelay $0x3  }
0x34: {  	[smem:$0x3FB0] =	sst s10  }
0x35: {  	s10 =	sld [smem:$0x3FAF];
	_ =	sdelay $0x3  }
0x36: {  	p1 =	seq.s32 s10, $0x1;
	s10 =	sld [smem:$0x3FB0];
	_ =	sdelay $0x3  }
0x37: {  	[smem:$0x3FB0] =	sst s10  }
0x38: {  	s10 =	sld [smem:$0x3FB1]  }
0x39: {  	_ = 	snop;
	(pc) =	sbr.ind lr, $3  }
0x3a: {  	_ = 	snop  }
0x3b: {  	_ = 	snop  }
0x3c: {  	p2 =	seq.s32 s10, $0x1;
	s10 =	sld [smem:$0x3FB0]  }
0x3d: {  	_ =	shalt  }
0x3e: {  	_ =	shalt  }
0x3f: {  	_ =	shalt  }
0x40: {  	_ =	shalt  }
0x41: {  	_ =	shalt  }
0x42: {  	_ =	shalt  }
0x43: {  	_ =	shalt  }
0x44: {  	_ =	shalt  }
0x45: {  	_ =	shalt  }
0x46: {  	_ =	shalt  }
0x47: {  	_ =	shalt  }
0x48: {  	_ =	shalt  }
0x49: {  	_ =	shalt  }
0x4a: {  	_ =	shalt  }
0x4b: {  	_ =	shalt  }
0x4c: {  	_ =	shalt  }
0x4d: {  	_ =	shalt  }
0x4e: {  	_ =	shalt  }
0x4f: {  	_ =	shalt  }
0x50: {  	_ =	shalt  }
0x51: {  	_ =	shalt  }
0x52: {  	_ =	shalt  }
0x53: {  	_ =	shalt  }
0x54: {  	_ =	shalt  }
0x55: {  	_ =	shalt  }
0x56: {  	_ =	shalt  }
0x57: {  	_ =	shalt  }
0x58: {  	_ =	shalt  }
0x59: {  	_ =	shalt  }
0x5a: {  	_ =	shalt  }
0x5b: {  	_ =	shalt  }
0x5c: {  	_ =	shalt  }
0x5d: {  	_ =	shalt  }
0x5e: {  	_ =	shalt  }
0x5f: {  	_ =	shalt  }
0x60: {  	_ =	shalt  }
0x61: {  	_ =	shalt  }
0x62: {  	_ =	shalt  }
0x63: {  	_ =	shalt  }
0x64: {  	_ =	shalt  }
0x65: {  	_ =	shalt  }
0x66: {  	_ =	shalt  }
0x67: {  	_ =	shalt  }
0x68: {  	_ =	shalt  }
0x69: {  	_ =	shalt  }
0x6a: {  	_ =	shalt  }
0x6b: {  	_ =	shalt  }
0x6c: {  	_ =	shalt  }
0x6d: {  	_ =	shalt  }
0x6e: {  	_ =	shalt  }
0x6f: {  	_ =	shalt  }
0x70: {  	_ =	shalt  }
0x71: {  	_ =	shalt  }
0x72: {  	_ =	shalt  }
0x73: {  	_ =	shalt  }
0x74: {  	_ =	shalt  }
0x75: {  	_ =	shalt  }
0x76: {  	_ =	shalt  }
0x77: {  	_ =	shalt  }
0x78: {  	_ =	shalt  }
0x79: {  	_ =	shalt  }
0x7a: {  	_ =	shalt  }
0x7b: {  	_ =	shalt  }
0x7c: {  	_ =	shalt  }
0x7d: {  	_ =	shalt  }
0x7e: {  	_ =	shalt  }
0x7f: {  	_ =	shalt  }
0x80: {  	_ =	shalt  }
0x81: {  	_ =	shalt  }
0x82: {  	_ =	shalt  }
0x83: {  	_ =	shalt  }
0x84: {  	_ =	shalt  }
0x85: {  	_ =	shalt  }
0x86: {  	_ =	shalt  }
0x87: {  	_ =	shalt  }
.Lfunc_end0:
.L_simem_size_0:
called_computation.1_lowered:
.L_overlay_start_0:
0x88: {  	s2 =	sld [smem:$0x3FD9]  }
0x89: {  	s3 =	sld [smem:$0x3FFE];
	_ =	sdelay $0x1  }
0x8a: {  	s1 =	srdreg.scid  }
0x8b: {  	s0 =	sand.u32 $0x1, s1  }
0x8c: {  	s16 =	sshll.u32 s0, $0xA;
	s2 =	sadd.s32 s3, s2  }
0x8d: {  	s2 =	sadd.s32 s2, s16  }
0x8e: {  	[smem:$0x3FBC] =	sst s2  }
0x8f: {  	_ = 	snop  }
0x90: {  	(tm) =	ssettm $0x1  }
0x91: {  	s17 =	sld [smem:$0x3FFB];
	_ =	sdelay $0x3  }
0x92: {  	_ =	strace s17  }
0x93: {  	s2 =	sld [smem:$0x3FFC];
	_ =	sdelay $0x3  }
0x94: {  	_ =	strace s2  }
0x95: {  	s2 =	sld [smem:$0x3FFD];
	_ =	sdelay $0x3  }
0x96: {  	_ =	strace s2  }
0x97: {  	_ =	strace $0x8FFFFFFF  }
0x98: {  	s18 =	sld [smem:$0x3FDB];
	_ =	sdelay $0x1  }
0x99: {  	s19 =	simm.s32 $_scs_section_size  }
0x9a: {  	s4 =	simm.s32 $_size__tile_overlayer_lowered;
	s5 =	simm.s32 $_tile_overlayer_lowered  }
0x9b: {  	s22 =	simm.s32 $0x1BFF;
	s21 =	sshll.u32 s5, $0x1;
	s2 =	sadd.s32 s19, s18  }
0x9c: {  	s6 =	simm.s32 $0x0;
	s20 =	sshll.u32 s4, $0x1;
	s4 =	sadd.s32 s21, s2  }
0x9d: {  	[timem:s6], [sflag:s22] =	dma.local [hbm:s4], s20  }
0x9e: {  	_ =	swait.ge [sflag:s22], s20  }
0x9f: {  	s3 =	ssub.s32 $0x0, s20;
	[sflag:s22] =	ssyncset.done $0x0  }
0xa0: {  	[sflag:s22] =	ssyncadd.s32 s3;
	_ =	sdelay $0x1  }
0xa1: {  	s23 =	simm.s32 $0x1B8B  }
0xa2: {  	_ =	swait.ge [sflag:s23], $0x1  }
0xa3: {  	[sflag:s23] =	ssyncset.done $0x0  }
0xa4: {  	s25 =	simm.s32 $0x1B8E;
	s24 =	sld [smem:$0x3FFE];
	[sflag:s23] =	ssyncadd.s32 $0xFFFFFFFF  }
0xa5: {  	s26 =	simm.s32 $execute0_lowered;
	[smem:$0x3FD2] =	sst s25  }
0xa6: {  	s4 =	sshll.u32 s26, $0x1;
	_ =	strace $0x80000049;
	[dreg:$0x1] =	wrdreg $0xFFFFFFFF  }
0xa7: {  	s28 =	simm.s32 $_size_execute0_lowered;
	s2 =	sadd.s32 s2, s4;
	[dreg:$0x0] =	wrdreg $0x0  }
0xa8: {  	s4 =	sshll.u32 s28, $0x1;
	[dreg:$0x2] =	wrdreg s2  }
0xa9: {  	[dreg:$0x3] =	wrdreg s4  }
0xaa: {  	[dreg:$0x4] =	wrdreg $0xC0  }
0xab: {  	_ =	task [dreg:s6], $0x5FFFF  }
0xac: {  	[dreg:$0x1] =	wrdreg $0xFFFFFFFF  }
0xad: {  	[dreg:$0x0] =	wrdreg $0x60  }
0xae: {  	[dreg:$0x2] =	wrdreg s24  }
0xaf: {  	[dreg:$0x3] =	wrdreg $0x70000  }
0xb0: {  	[dreg:$0x4] =	wrdreg $0x9  }
0xb1: {  	_ =	task.clear_ibuf [dreg:s6], $0x5FFFF;
	_ =	strace $0x90000049  }
0xb2: {  	s29 =	simm.s32 $0x9;
	_ =	strace $0x8000004B  }
0xb3: {  	_ =	swait.ge [sflag:s29], $0x1  }
0xb4: {  	[sflag:s29] =	ssyncadd.s32 $0xFFFFFFFF  }
0xb5: {  	_ =	strace $0x9000004B  }
0xb6: {  	_ =	sfence  }
0xb7: {  	s30 =	sld [smem:$0x0];
	_ =	sdelay $0x2  }
0xb8: {  	s31 =	sshll.u32 s1, $0xD;
	s1 =	sshrl.u32 s1, $0x2  }
0xb9: {  	s3 =	sand.u32 $0x4000, s31;
	s1 =	sadd.s32 s1, s30  }
0xba: {  	s0 =	sor.u32 s3, s0;
	s1 =	sshll.u32 s1, $0x11  }
0xbb: {  	s0 =	sor.u32 s1, s0  }
0xbc: {  	s0 =	sadd.s32 $0x8F2B, s0  }
0xbd: {  	[sflag:s0] =	ssyncadd.remote.s32 $0x1  }
0xbe: {  	_ =	sfence.sel $0xFFFF  }
0xbf: {  	[dreg:$0x0] =	wrdreg $0xFFFFFFFF;
	(pc) =	sbr.abs _section_cstart, $3  }
0xc0: {  	[dreg:$0x1] =	wrdreg $0xFFFFFFFF  }
0xc1: {  	_ =	task.clear_ibuf [dreg:s6], $0x2FFFF;
	_ =	strace $0x9FFFFFFF  }
0xc2: {  	(tm) =	ssettm $0x7FFFFFFF  }
0xc3: {  	_ =	shalt  }
tec
execute0_lowered:
.L_overlay_start_1:
0x0: {  	(tag) =	ssettag $0x1  }
0x1: {  	s1 =	srdreg.scid;
	s6 =	rddreg [dreg:$0x0]  }
0x2: {  	s0 =	stileid.u32;
	s2 =	rddreg [dreg:$0x1]  }
0x3: {  	s3 =	simm.s32 $0x0;
	s14 =	simm.s32 $0x80;
	s15 =	simm.s32 $0x5000  }
0x4: {  	s16 =	simm.s32 $0x1;
	s17 =	simm.s32 $0x0;
	s5 =	sand.u32 $0x1, s1  }
0x5: {  	s30 =	sshll.u32 s0, $0x1;
	s8 =	smul.u32 $0xA000, s0;
	[smem:$0x7FF] =	sst s3  }
0x6: {  	s12 =	sshll.u32 s0, $0x6;
	s1 =	sor.u32 s5, s30;
	s7 =	smul.u32 $0xA0000, s5  }
0x7: {  	s10 =	ssub.s32 $0x2, s5;
	s5 =	sadd.s32 $0x2200, s6;
	s12 =	sor.u32 $0x1C02, s12  }
0x8: {  	s4 =	smul.u32 $0x500, s1;
	s1 =	rddreg [dreg:$0x2];
	_ =	strace $0x8000004A  }
0x9: {  	s31 =	sshrl.u32 s10, $0x1;
	s13 =	sadd.s32 s8, s2;
	s7 =	sadd.s32 s8, s7  }
0xa: {  	s10 =	ssub.s32 s10, s31;
	s13 =	sshrl.u32 s13, $0x3;
	s7 =	sshrl.u32 s7, $0x3  }
0xb: {  	s9 =	sadd.s32 s4, s6;
	s4 =	sadd.s32 $0x20200, s6;
	s11 =	sadd.s32 s7, s6  }
0xc: {  	s6 =	sadd.s32 $0xC200, s9;
	s7 =	sadd.s32 $0x16200, s9;
	s9 =	smax.u32 s10, $0x1  }
0xd: {  	s10 =	simm.s32 $0x2;
	s8 =	sadd.s32 $0xD4A00, s11;
	s11 =	simm.s32 $0x2800  }
.LBB2_1:
0xe: {  	[tilespmem:s3], [sflag:$0x2] =	stream.linear.gather [hbm4b:s6+s3], $0x2800, $0x38;
	[tilespmem:$0x11000] =	vst v63  }
0xf: {  	_ =	swait.ge [sflag:s10], $0x2800  }
0x10: {  	[sflag:s10] =	ssyncset.done $0x0  }
0x11: {  	[sflag:s10] =	ssyncadd.s32 $0xFFFFD800  }
0x12: {  	[tilespmem:s11], [sflag:$0x2] =	stream.linear.gather [hbm4b:s7+s3], $0x2800, $0x38;
	[tilespmem:$0x11000] =	vst v63  }
0x13: {  	_ =	swait.ge [sflag:s10], $0x2800  }
0x14: {  	[sflag:s10] =	ssyncset.done $0x0  }
0x15: {  	[sflag:s10] =	ssyncadd.s32 $0xFFFFD800  }
0x16: {  	[spmem:s13], [sflag:s12] =	dma.local [hbm:s5], $0x1400  }
0x17: {  	_ =	swait.ge [sflag:s10], $0x1400  }
0x18: {  	[sflag:s10] =	ssyncset.done $0x0  }
0x19: {  	[sflag:s10] =	ssyncadd.s32 $0xFFFFEC00  }
0x1a: {  	s18 =	simm.s32 $0x0;
	[bflag:$0x0] =	sbarrier.arrive $0xFFFF  }
0x1b: {  	[tilespmem:s15], [sflag:$0x1] =	stream.indirect.gather [hbm4b:s4+s14], $0x40, s18, s14, $0xb8;
	[tilespmem:$0x11000] =	vst v63  }
0x1c: {  	_ =	swait.ge [sflag:s16], $0x2000  }
0x1d: {  	[sflag:s16] =	ssyncset.done $0x0  }
0x1e: {  	s31 =	simm.s32 $0x2800;
	[sflag:s16] =	ssyncadd.s32 $0xFFFFE000  }
0x1f: {  	[spmem:s2] =	stream.indirect.scatter.add.f32 [tilespmem:s15], [sflag:$0x2], $0x40, s31, s14, $0xb8;
	[tilespmem:$0x11000] =	vst v63  }
0x20: {  	_ =	swait.ge [sflag:s10], $0x2000  }
0x21: {  	s19 =	simm.s32 $0x400;
	s18 =	simm.s32 $0x200;
	[sflag:s10] =	ssyncset.done $0x0  }
.LBB2_2:
0x22: {  	s20 =	sshra.s32 s18, $0x2  }
0x23: {  	[sflag:s10] =	ssyncadd.s32 $0xFFFFE000;
	s18 =	smov.u32 s19;
	s21 =	sadd.s32 $0x200, s19  }
0x24: {  	[tilespmem:s15], [sflag:$0x1] =	stream.indirect.gather [hbm4b:s4+s14], $0x40, s20, s14, $0xb8;
	[tilespmem:$0x11000] =	vst v63  }
0x25: {  	p0 =	sne.s32 s19, $0x9E00;
	_ =	swait.ge [sflag:s16], $0x2000  }
.Ltmp0:
0x26: {  	[sflag:s16] =	ssyncset.done $0x0;
	(pc) =	sbr.rel @p0 .LBB2_2-.Ltmp0, $4  }
0x27: {  	s19 =	sadd.s32 $0x2800, s20;
	[sflag:s16] =	ssyncadd.s32 $0xFFFFE000  }
0x28: {  	[spmem:s2] =	stream.indirect.scatter.add.f32 [tilespmem:s15], [sflag:$0x2], $0x40, s19, s14, $0xb8;
	[tilespmem:$0x11000] =	vst v63  }
0x29: {  	_ =	swait.ge [sflag:s10], $0x2000  }
0x2a: {  	s19 =	smov.u32 s21;
	[sflag:s10] =	ssyncset.done $0x0  }
0x2b: {  	s18 =	sshra.s32 s18, $0x2;
	[sflag:s10] =	ssyncadd.s32 $0xFFFFE000  }
0x2c: {  	[tilespmem:s15], [sflag:$0x1] =	stream.indirect.gather [hbm4b:s4+s14], $0x40, s18, s14, $0xb8;
	[tilespmem:$0x11000] =	vst v63  }
0x2d: {  	_ =	swait.ge [sflag:s16], $0x2000  }
0x2e: {  	[sflag:s16] =	ssyncset.done $0x0  }
0x2f: {  	s18 =	sadd.s32 $0x2800, s18;
	[sflag:s16] =	ssyncadd.s32 $0xFFFFE000  }
0x30: {  	[spmem:s2] =	stream.indirect.scatter.add.f32 [tilespmem:s15], [sflag:$0x2], $0x40, s18, s14, $0xb8;
	[tilespmem:$0x11000] =	vst v63  }
0x31: {  	_ =	swait.ge [sflag:s10], $0x2000  }
0x32: {  	s17 =	sadd.s32 $0x1, s17;
	[sflag:s10] =	ssyncset.done $0x0  }
0x33: {  	p0 =	sne.s32 s17, s9;
	[sflag:s10] =	ssyncadd.s32 $0xFFFFE000  }
.Ltmp1:
0x34: {  	[bflag:$0x0] =	sbarrier.arrive $0xFFFF;
	(pc) =	sbr.rel @p0 .LBB2_1-.Ltmp1, $4  }
0x35: {  	[hbm:s8], [sflag:s12] =	dma.local [spmem:s13], $0x1400  }
0x36: {  	_ =	swait.ge [sflag:s10], $0x1400  }
0x37: {  	[sflag:s10] =	ssyncset.done $0x0  }
0x38: {  	[sflag:s10] =	ssyncadd.s32 $0xFFFFEC00  }
0x39: {  	_ =	sfence.sel $0x180000  }
0x3a: {  	[bflag:$0x0] =	sbarrier.arrive $0xFFFF  }
0x3b: {  	p0 =	sne.s32 s0, $0x0;
	_ =	strace $0x9000004A  }
0x3c: {  	s0 =	sadd.s32 @!p0 $0x100000, s1;
	[bflag:$0x2] =	sbarrier.arrive $0xFFFF  }
0x3d: {  	[sflag:s0] =	ssyncadd.tile.s32 @!p0 $0x1;
	_ =	shalt  }
.Lfunc_end2:
_tile_overlayer_lowered:
.L_overlay_start_2:
0x3e: {  	(tag) =	ssettag $0x2  }
0x3f: {  	s0 =	rddreg [dreg:$0x0];
	s2 =	stileid.u32  }
0x40: {  	s1 =	rddreg [dreg:$0x1];
	p0 =	sne.s32 s2, $0x0  }
0x41: {  	s3 =	rddreg [dreg:$0x2];
	[bflag:$0x3] =	sbarrier.arrive $0xFFFF;
	s2 =	simm.s32 @!p0 $0x1C02  }
0x42: {  	[timem:s3], [sflag:s2] =	dma.local @!p0 [hbm:s0], s1  }
0x43: {  	s0 =	simm.s32 @!p0 $0x2  }
0x44: {  	_ =	swait.ge @!p0 [sflag:s0], s1  }
0x45: {  	s1 =	ssub.s32 @!p0 $0x0, s1;
	[sflag:s0] =	ssyncset.done @!p0 $0x0  }
0x46: {  	[sflag:s0] =	ssyncadd.s32 @!p0 s1  }
0x47: {  	[bflag:$0x3] =	sbarrier.arrive $0xFFFF  }
0x48: {  	_ =	shalt  }

// kernel: kernel.15.cloned.1.call-start
scs
__scs_entry_jumppad:
0x0: {  	(pc) =	sbr.rel $0x88, $3  }
0x1: {  	(tag) =	ssettag $0x0;
	lr =	simm.s32 $0x1  }
0x2: {  	[smem:$0x3F95] =	sst lr;
	_ =	strace $0xD0000000  }
0x3: {  	_ = 	snop  }
0x4: {  	_ = 	snop  }
0x5: {  	_ = 	snop  }
0x6: {  	_ = 	snop  }
0x7: {  	_ = 	snop  }
__scs_overlays_trampoline_lowered:
0x8: {  	[smem:$0x3FA4] =	sst s0  }
0x9: {  	[smem:$0x3FA5] =	sst s1  }
0xa: {  	[smem:$0x3FA6] =	sst s2  }
0xb: {  	[smem:$0x3FA7] =	sst s3  }
0xc: {  	[smem:$0x3FA8] =	sst s4  }
0xd: {  	[smem:$0x3FA9] =	sst s5  }
0xe: {  	[smem:$0x3FAA] =	sst s6  }
0xf: {  	[smem:$0x3FAB] =	sst s7  }
0x10: {  	[smem:$0x3FAC] =	sst s8  }
0x11: {  	[smem:$0x3FAD] =	sst s9;
	s0 =	simm.s32 @!p0 $0x0  }
0x12: {  	s1 =	sld [smem:$0x3F93];
	s0 =	simm.s32 @p0 $0x1  }
0x13: {  	[smem:$0x3FAE] =	sst s0;
	s0 =	simm.s32 @!p1 $0x0  }
0x14: {  	s2 =	sld [smem:$0x3F92];
	s0 =	simm.s32 @p1 $0x1  }
0x15: {  	[smem:$0x3FAF] =	sst s0;
	s0 =	simm.s32 @!p2 $0x0  }
0x16: {  	s3 =	sld [smem:$0x3FDB];
	s0 =	simm.s32 @p2 $0x1  }
0x17: {  	s4 =	simm.s32 $0x1BF5;
	[smem:$0x3FB1] =	sst s0  }
0x18: {  	s0 =	sld [smem:$0x3F94];
	_ =	swait.ge [sflag:s4], $0x0  }
0x19: {  	s7 =	sld [smem:$0x3F95]  }
0x1a: {  	s8 =	sadd.s32 $0xFFFFE003, lr  }
0x1b: {  	s9 =	sadd.s32 $0xFFFFFEF7, lr;
	s5 =	simm.s32 $0xFFFFFFFF;
	p2 =	slt.u32 s8, $0xFFFFF086  }
0x1c: {  	p1 =	slt.u32 s9, $0xF7A;
	s5 =	simm.s32 @!p2 $0x0  }
0x1d: {  	s5 =	simm.s32 @p1 $0x1;
	p0 =	seq.s32 s7, s2  }
0x1e: {  	s7 =	smul.u32 @!p0 $0xF7A, s2;
	p2 =	seq.s32 @!p0 s5, $0x0  }
0x1f: {  	s9 =	smul.u32 $0xF7A, s1;
	s8 =	simm.s32 @!p0 $0x1BF5;
	p2 =	por !p2, p0  }
0x20: {  	[sflag:s8] =	ssyncset.s32 @!p0 $0xFFFFF086;
	s6 =	sadd.s32 @!p0 s3, s7;
	s7 =	simm.s32 @!p0 $0x108  }
0x21: {  	s3 =	sadd.s32 s3, s9;
	s6 =	sadd.s32 @!p0 $0x88, s6;
	s7 =	simm.s32 @p2 $0x1082  }
0x22: {  	[simem:s7], [sflag:s8] =	dma.local @!p0 [hbm:s6], $0xF7A  }
0x23: {  	s9 =	sor.u32 $0xD0000000, s2;
	s6 =	simm.s32 $0x108;
	_ =	swait.ge @!p0 [sflag:s8], $0x0  }
0x24: {  	s3 =	sadd.s32 $0x88, s3;
	s6 =	simm.s32 @!p1 $0x1082;
	[sflag:s4] =	ssyncset.s32 $0xFFFFF086  }
0x25: {  	[simem:s6], [sflag:s4] =	dma.local [hbm:s3], $0xF7A  }
0x26: {  	[smem:$0x3F95] =	sst s1;
	(tag) =	ssettag s2;
	_ =	strace s9  }
0x27: {  	s1 =	sld [smem:$0x3FA5]  }
0x28: {  	s2 =	sld [smem:$0x3FA6]  }
0x29: {  	s4 =	sld [smem:$0x3FA8]  }
0x2a: {  	p0 =	seq.s32 s5, $0x0;
	s5 =	sld [smem:$0x3FA9]  }
0x2b: {  	s6 =	sld [smem:$0x3FAA]  }
0x2c: {  	s7 =	sld [smem:$0x3FAB]  }
0x2d: {  	s3 =	simm.s32 $0x108;
	s8 =	sld [smem:$0x3FAC]  }
0x2e: {  	s3 =	simm.s32 @!p0 $0x1082;
	s9 =	sld [smem:$0x3FAD]  }
0x2f: {  	lr =	sadd.s32 s0, s3;
	s0 =	sld [smem:$0x3FA4]  }
0x30: {  	s3 =	sld [smem:$0x3FA7]  }
0x31: {  	[smem:$0x3FB0] =	sst s10  }
0x32: {  	s10 =	sld [smem:$0x3FAE];
	_ =	sdelay $0x3  }
0x33: {  	p0 =	seq.s32 s10, $0x1;
	s10 =	sld [smem:$0x3FB0];
	_ =	sdelay $0x3  }
0x34: {  	[smem:$0x3FB0] =	sst s10  }
0x35: {  	s10 =	sld [smem:$0x3FAF];
	_ =	sdelay $0x3  }
0x36: {  	p1 =	seq.s32 s10, $0x1;
	s10 =	sld [smem:$0x3FB0];
	_ =	sdelay $0x3  }
0x37: {  	[smem:$0x3FB0] =	sst s10  }
0x38: {  	s10 =	sld [smem:$0x3FB1]  }
0x39: {  	_ = 	snop;
	(pc) =	sbr.ind lr, $3  }
0x3a: {  	_ = 	snop  }
0x3b: {  	_ = 	snop  }
0x3c: {  	p2 =	seq.s32 s10, $0x1;
	s10 =	sld [smem:$0x3FB0]  }
0x3d: {  	_ =	shalt  }
0x3e: {  	_ =	shalt  }
0x3f: {  	_ =	shalt  }
0x40: {  	_ =	shalt  }
0x41: {  	_ =	shalt  }
0x42: {  	_ =	shalt  }
0x43: {  	_ =	shalt  }
0x44: {  	_ =	shalt  }
0x45: {  	_ =	shalt  }
0x46: {  	_ =	shalt  }
0x47: {  	_ =	shalt  }
0x48: {  	_ =	shalt  }
0x49: {  	_ =	shalt  }
0x4a: {  	_ =	shalt  }
0x4b: {  	_ =	shalt  }
0x4c: {  	_ =	shalt  }
0x4d: {  	_ =	shalt  }
0x4e: {  	_ =	shalt  }
0x4f: {  	_ =	shalt  }
0x50: {  	_ =	shalt  }
0x51: {  	_ =	shalt  }
0x52: {  	_ =	shalt  }
0x53: {  	_ =	shalt  }
0x54: {  	_ =	shalt  }
0x55: {  	_ =	shalt  }
0x56: {  	_ =	shalt  }
0x57: {  	_ =	shalt  }
0x58: {  	_ =	shalt  }
0x59: {  	_ =	shalt  }
0x5a: {  	_ =	shalt  }
0x5b: {  	_ =	shalt  }
0x5c: {  	_ =	shalt  }
0x5d: {  	_ =	shalt  }
0x5e: {  	_ =	shalt  }
0x5f: {  	_ =	shalt  }
0x60: {  	_ =	shalt  }
0x61: {  	_ =	shalt  }
0x62: {  	_ =	shalt  }
0x63: {  	_ =	shalt  }
0x64: {  	_ =	shalt  }
0x65: {  	_ =	shalt  }
0x66: {  	_ =	shalt  }
0x67: {  	_ =	shalt  }
0x68: {  	_ =	shalt  }
0x69: {  	_ =	shalt  }
0x6a: {  	_ =	shalt  }
0x6b: {  	_ =	shalt  }
0x6c: {  	_ =	shalt  }
0x6d: {  	_ =	shalt  }
0x6e: {  	_ =	shalt  }
0x6f: {  	_ =	shalt  }
0x70: {  	_ =	shalt  }
0x71: {  	_ =	shalt  }
0x72: {  	_ =	shalt  }
0x73: {  	_ =	shalt  }
0x74: {  	_ =	shalt  }
0x75: {  	_ =	shalt  }
0x76: {  	_ =	shalt  }
0x77: {  	_ =	shalt  }
0x78: {  	_ =	shalt  }
0x79: {  	_ =	shalt  }
0x7a: {  	_ =	shalt  }
0x7b: {  	_ =	shalt  }
0x7c: {  	_ =	shalt  }
0x7d: {  	_ =	shalt  }
0x7e: {  	_ =	shalt  }
0x7f: {  	_ =	shalt  }
0x80: {  	_ =	shalt  }
0x81: {  	_ =	shalt  }
0x82: {  	_ =	shalt  }
0x83: {  	_ =	shalt  }
0x84: {  	_ =	shalt  }
0x85: {  	_ =	shalt  }
0x86: {  	_ =	shalt  }
0x87: {  	_ =	shalt  }
.Lfunc_end0:
.L_simem_size_0:
called_computation.2_lowered:
.L_overlay_start_0:
0x88: {  	s2 =	sld [smem:$0x3FD9]  }
0x89: {  	s3 =	sld [smem:$0x3FFE];
	_ =	sdelay $0x1  }
0x8a: {  	s1 =	srdreg.scid  }
0x8b: {  	s0 =	sand.u32 $0x1, s1  }
0x8c: {  	s16 =	sshll.u32 s0, $0xA;
	s2 =	sadd.s32 s3, s2  }
0x8d: {  	s2 =	sadd.s32 s2, s16  }
0x8e: {  	[smem:$0x3FBC] =	sst s2  }
0x8f: {  	_ = 	snop  }
0x90: {  	(tm) =	ssettm $0x1  }
0x91: {  	s17 =	sld [smem:$0x3FFB];
	_ =	sdelay $0x3  }
0x92: {  	_ =	strace s17  }
0x93: {  	s2 =	sld [smem:$0x3FFC];
	_ =	sdelay $0x3  }
0x94: {  	_ =	strace s2  }
0x95: {  	s2 =	sld [smem:$0x3FFD];
	_ =	sdelay $0x3  }
0x96: {  	_ =	strace s2  }
0x97: {  	_ =	strace $0x8FFFFFFF  }
0x98: {  	s18 =	sld [smem:$0x3FDB];
	_ =	sdelay $0x1  }
0x99: {  	s19 =	simm.s32 $_scs_section_size  }
0x9a: {  	s4 =	simm.s32 $_size__tile_overlayer_lowered;
	s5 =	simm.s32 $_tile_overlayer_lowered  }
0x9b: {  	s22 =	simm.s32 $0x1BFF;
	s21 =	sshll.u32 s5, $0x1;
	s2 =	sadd.s32 s19, s18  }
0x9c: {  	s6 =	simm.s32 $0x0;
	s20 =	sshll.u32 s4, $0x1;
	s4 =	sadd.s32 s21, s2  }
0x9d: {  	[timem:s6], [sflag:s22] =	dma.local [hbm:s4], s20  }
0x9e: {  	_ =	swait.ge [sflag:s22], s20  }
0x9f: {  	s3 =	ssub.s32 $0x0, s20;
	[sflag:s22] =	ssyncset.done $0x0  }
0xa0: {  	[sflag:s22] =	ssyncadd.s32 s3;
	_ =	sdelay $0x1  }
0xa1: {  	s23 =	simm.s32 $0x1B8B  }
0xa2: {  	_ =	swait.ge [sflag:s23], $0x1  }
0xa3: {  	[sflag:s23] =	ssyncset.done $0x0  }
0xa4: {  	s25 =	simm.s32 $0x1B8E;
	s24 =	sld [smem:$0x3FFE];
	[sflag:s23] =	ssyncadd.s32 $0xFFFFFFFF  }
0xa5: {  	s26 =	simm.s32 $execute0_lowered;
	[smem:$0x3FD2] =	sst s25  }
0xa6: {  	s4 =	sshll.u32 s26, $0x1;
	_ =	strace $0x8000004C;
	[dreg:$0x1] =	wrdreg $0xFFFFFFFF  }
0xa7: {  	s28 =	simm.s32 $_size_execute0_lowered;
	s2 =	sadd.s32 s2, s4;
	[dreg:$0x0] =	wrdreg $0x0  }
0xa8: {  	s4 =	sshll.u32 s28, $0x1;
	[dreg:$0x2] =	wrdreg s2  }
0xa9: {  	[dreg:$0x3] =	wrdreg s4  }
0xaa: {  	[dreg:$0x4] =	wrdreg $0xC0  }
0xab: {  	_ =	task [dreg:s6], $0x5FFFF  }
0xac: {  	[dreg:$0x1] =	wrdreg $0xFFFFFFFF  }
0xad: {  	[dreg:$0x0] =	wrdreg $0x60  }
0xae: {  	[dreg:$0x2] =	wrdreg s24  }
0xaf: {  	[dreg:$0x3] =	wrdreg $0x90000  }
0xb0: {  	[dreg:$0x4] =	wrdreg $0x9  }
0xb1: {  	_ =	task.clear_ibuf [dreg:s6], $0x5FFFF;
	_ =	strace $0x9000004C  }
0xb2: {  	s29 =	simm.s32 $0x9;
	_ =	strace $0x8000004E  }
0xb3: {  	_ =	swait.ge [sflag:s29], $0x1  }
0xb4: {  	[sflag:s29] =	ssyncadd.s32 $0xFFFFFFFF  }
0xb5: {  	_ =	strace $0x9000004E  }
0xb6: {  	_ =	sfence  }
0xb7: {  	s30 =	sld [smem:$0x0];
	_ =	sdelay $0x2  }
0xb8: {  	s31 =	sshll.u32 s1, $0xD;
	s1 =	sshrl.u32 s1, $0x2  }
0xb9: {  	s3 =	sand.u32 $0x4000, s31;
	s1 =	sadd.s32 s1, s30  }
0xba: {  	s0 =	sor.u32 s3, s0;
	s1 =	sshll.u32 s1, $0x11  }
0xbb: {  	s0 =	sor.u32 s1, s0  }
0xbc: {  	s0 =	sadd.s32 $0x8F2B, s0  }
0xbd: {  	[sflag:s0] =	ssyncadd.remote.s32 $0x1  }
0xbe: {  	_ =	sfence.sel $0xFFFF  }
0xbf: {  	[dreg:$0x0] =	wrdreg $0xFFFFFFFF;
	(pc) =	sbr.abs _section_cstart, $3  }
0xc0: {  	[dreg:$0x1] =	wrdreg $0xFFFFFFFF  }
0xc1: {  	_ =	task.clear_ibuf [dreg:s6], $0x2FFFF;
	_ =	strace $0x9FFFFFFF  }
0xc2: {  	(tm) =	ssettm $0x7FFFFFFF  }
0xc3: {  	_ =	shalt  }
tec
execute0_lowered:
.L_overlay_start_1:
0x0: {  	(tag) =	ssettag $0x1  }
0x1: {  	s1 =	srdreg.scid;
	s6 =	rddreg [dreg:$0x0]  }
0x2: {  	s0 =	stileid.u32;
	s2 =	rddreg [dreg:$0x1]  }
0x3: {  	s3 =	simm.s32 $0x0;
	s14 =	simm.s32 $0x80;
	s15 =	simm.s32 $0x5000  }
0x4: {  	s16 =	simm.s32 $0x1;
	s17 =	simm.s32 $0x0;
	s5 =	sand.u32 $0x1, s1  }
0x5: {  	s30 =	sshll.u32 s0, $0x1;
	s8 =	smul.u32 $0x14000, s0;
	[smem:$0x7FF] =	sst s3  }
0x6: {  	s12 =	sshll.u32 s0, $0x6;
	s1 =	sor.u32 s5, s30;
	s7 =	smul.u32 $0x140000, s5  }
0x7: {  	s10 =	ssub.s32 $0x2, s5;
	s5 =	sadd.s32 $0x2200, s6;
	s12 =	sor.u32 $0x1C02, s12  }
0x8: {  	s4 =	smul.u32 $0x500, s1;
	s1 =	rddreg [dreg:$0x2];
	_ =	strace $0x8000004D  }
0x9: {  	s31 =	sshrl.u32 s10, $0x1;
	s13 =	sadd.s32 s8, s2;
	s7 =	sadd.s32 s8, s7  }
0xa: {  	s10 =	ssub.s32 s10, s31;
	s13 =	sshrl.u32 s13, $0x3;
	s7 =	sshrl.u32 s7, $0x3  }
0xb: {  	s9 =	sadd.s32 s4, s6;
	s4 =	sadd.s32 $0xD4A00, s6;
	s11 =	sadd.s32 s7, s6  }
0xc: {  	s6 =	sadd.s32 $0xC200, s9;
	s7 =	sadd.s32 $0x16200, s9;
	s9 =	smax.u32 s10, $0x1  }
0xd: {  	s10 =	simm.s32 $0x2;
	s8 =	sadd.s32 $0xFBC00, s11;
	s11 =	simm.s32 $0x2800  }
.LBB2_1:
0xe: {  	[tilespmem:s3], [sflag:$0x2] =	stream.linear.gather [hbm4b:s6+s3], $0x2800, $0x38;
	[tilespmem:$0x1D000] =	vst v63  }
0xf: {  	_ =	swait.ge [sflag:s10], $0x2800  }
0x10: {  	[sflag:s10] =	ssyncset.done $0x0  }
0x11: {  	[sflag:s10] =	ssyncadd.s32 $0xFFFFD800  }
0x12: {  	[tilespmem:s11], [sflag:$0x2] =	stream.linear.gather [hbm4b:s7+s3], $0x2800, $0x38;
	[tilespmem:$0x1D000] =	vst v63  }
0x13: {  	_ =	swait.ge [sflag:s10], $0x2800  }
0x14: {  	[sflag:s10] =	ssyncset.done $0x0  }
0x15: {  	[sflag:s10] =	ssyncadd.s32 $0xFFFFD800  }
0x16: {  	[spmem:s13], [sflag:s12] =	dma.local [hbm:s5], $0x2800  }
0x17: {  	_ =	swait.ge [sflag:s10], $0x2800  }
0x18: {  	[sflag:s10] =	ssyncset.done $0x0  }
0x19: {  	[sflag:s10] =	ssyncadd.s32 $0xFFFFD800  }
0x1a: {  	s18 =	simm.s32 $0x0;
	[bflag:$0x0] =	sbarrier.arrive $0xFFFF  }
0x1b: {  	[tilespmem:s15], [sflag:$0x1] =	stream.indirect.gather [hbm4b:s4+s14], $0x80, s18, s14, $0xb8;
	[tilespmem:$0x1D000] =	vst v63  }
0x1c: {  	_ =	swait.ge [sflag:s16], $0x4000  }
0x1d: {  	[sflag:s16] =	ssyncset.done $0x0  }
0x1e: {  	s31 =	simm.s32 $0x2800;
	[sflag:s16] =	ssyncadd.s32 $0xFFFFC000  }
0x1f: {  	[spmem:s2] =	stream.indirect.scatter.add.f32 [tilespmem:s15], [sflag:$0x2], $0x80, s31, s14, $0xb8;
	[tilespmem:$0x1D000] =	vst v63  }
0x20: {  	_ =	swait.ge [sflag:s10], $0x4000  }
0x21: {  	s19 =	simm.s32 $0x400;
	s18 =	simm.s32 $0x200;
	[sflag:s10] =	ssyncset.done $0x0  }
.LBB2_2:
0x22: {  	s20 =	sshra.s32 s18, $0x2  }
0x23: {  	[sflag:s10] =	ssyncadd.s32 $0xFFFFC000;
	s18 =	smov.u32 s19;
	s21 =	sadd.s32 $0x200, s19  }
0x24: {  	[tilespmem:s15], [sflag:$0x1] =	stream.indirect.gather [hbm4b:s4+s14], $0x80, s20, s14, $0xb8;
	[tilespmem:$0x1D000] =	vst v63  }
0x25: {  	p0 =	sne.s32 s19, $0x9E00;
	_ =	swait.ge [sflag:s16], $0x4000  }
.Ltmp0:
0x26: {  	[sflag:s16] =	ssyncset.done $0x0;
	(pc) =	sbr.rel @p0 .LBB2_2-.Ltmp0, $4  }
0x27: {  	s19 =	sadd.s32 $0x2800, s20;
	[sflag:s16] =	ssyncadd.s32 $0xFFFFC000  }
0x28: {  	[spmem:s2] =	stream.indirect.scatter.add.f32 [tilespmem:s15], [sflag:$0x2], $0x80, s19, s14, $0xb8;
	[tilespmem:$0x1D000] =	vst v63  }
0x29: {  	_ =	swait.ge [sflag:s10], $0x4000  }
0x2a: {  	s19 =	smov.u32 s21;
	[sflag:s10] =	ssyncset.done $0x0  }
0x2b: {  	s18 =	sshra.s32 s18, $0x2;
	[sflag:s10] =	ssyncadd.s32 $0xFFFFC000  }
0x2c: {  	[tilespmem:s15], [sflag:$0x1] =	stream.indirect.gather [hbm4b:s4+s14], $0x80, s18, s14, $0xb8;
	[tilespmem:$0x1D000] =	vst v63  }
0x2d: {  	_ =	swait.ge [sflag:s16], $0x4000  }
0x2e: {  	[sflag:s16] =	ssyncset.done $0x0  }
0x2f: {  	s18 =	sadd.s32 $0x2800, s18;
	[sflag:s16] =	ssyncadd.s32 $0xFFFFC000  }
0x30: {  	[spmem:s2] =	stream.indirect.scatter.add.f32 [tilespmem:s15], [sflag:$0x2], $0x80, s18, s14, $0xb8;
	[tilespmem:$0x1D000] =	vst v63  }
0x31: {  	_ =	swait.ge [sflag:s10], $0x4000  }
0x32: {  	s17 =	sadd.s32 $0x1, s17;
	[sflag:s10] =	ssyncset.done $0x0  }
0x33: {  	p0 =	sne.s32 s17, s9;
	[sflag:s10] =	ssyncadd.s32 $0xFFFFC000  }
.Ltmp1:
0x34: {  	[bflag:$0x0] =	sbarrier.arrive $0xFFFF;
	(pc) =	sbr.rel @p0 .LBB2_1-.Ltmp1, $4  }
0x35: {  	[hbm:s8], [sflag:s12] =	dma.local [spmem:s13], $0x2800  }
0x36: {  	_ =	swait.ge [sflag:s10], $0x2800  }
0x37: {  	[sflag:s10] =	ssyncset.done $0x0  }
0x38: {  	[sflag:s10] =	ssyncadd.s32 $0xFFFFD800  }
0x39: {  	_ =	sfence.sel $0x180000  }
0x3a: {  	[bflag:$0x0] =	sbarrier.arrive $0xFFFF  }
0x3b: {  	p0 =	sne.s32 s0, $0x0;
	_ =	strace $0x9000004D  }
0x3c: {  	s0 =	sadd.s32 @!p0 $0x100000, s1;
	[bflag:$0x2] =	sbarrier.arrive $0xFFFF  }
0x3d: {  	[sflag:s0] =	ssyncadd.tile.s32 @!p0 $0x1;
	_ =	shalt  }
.Lfunc_end2:
_tile_overlayer_lowered:
.L_overlay_start_2:
0x3e: {  	(tag) =	ssettag $0x2  }
0x3f: {  	s0 =	rddreg [dreg:$0x0];
	s2 =	stileid.u32  }
0x40: {  	s1 =	rddreg [dreg:$0x1];
	p0 =	sne.s32 s2, $0x0  }
0x41: {  	s3 =	rddreg [dreg:$0x2];
	[bflag:$0x3] =	sbarrier.arrive $0xFFFF;
	s2 =	simm.s32 @!p0 $0x1C02  }
0x42: {  	[timem:s3], [sflag:s2] =	dma.local @!p0 [hbm:s0], s1  }
0x43: {  	s0 =	simm.s32 @!p0 $0x2  }
0x44: {  	_ =	swait.ge @!p0 [sflag:s0], s1  }
0x45: {  	s1 =	ssub.s32 @!p0 $0x0, s1;
	[sflag:s0] =	ssyncset.done @!p0 $0x0  }
0x46: {  	[sflag:s0] =	ssyncadd.s32 @!p0 s1  }
0x47: {  	[bflag:$0x3] =	sbarrier.arrive $0xFFFF  }
0x48: {  	_ =	shalt  }

// kernel: kernel.9.cloned.1.call-start
scs
__scs_entry_jumppad:
0x0: {  	(pc) =	sbr.rel $0x88, $3  }
0x1: {  	(tag) =	ssettag $0x0;
	lr =	simm.s32 $0x1  }
0x2: {  	[smem:$0x3F95] =	sst lr;
	_ =	strace $0xD0000000  }
0x3: {  	_ = 	snop  }
0x4: {  	_ = 	snop  }
0x5: {  	_ = 	snop  }
0x6: {  	_ = 	snop  }
0x7: {  	_ = 	snop  }
__scs_overlays_trampoline_lowered:
0x8: {  	[smem:$0x3FA4] =	sst s0  }
0x9: {  	[smem:$0x3FA5] =	sst s1  }
0xa: {  	[smem:$0x3FA6] =	sst s2  }
0xb: {  	[smem:$0x3FA7] =	sst s3  }
0xc: {  	[smem:$0x3FA8] =	sst s4  }
0xd: {  	[smem:$0x3FA9] =	sst s5  }
0xe: {  	[smem:$0x3FAA] =	sst s6  }
0xf: {  	[smem:$0x3FAB] =	sst s7  }
0x10: {  	[smem:$0x3FAC] =	sst s8  }
0x11: {  	[smem:$0x3FAD] =	sst s9;
	s0 =	simm.s32 @!p0 $0x0  }
0x12: {  	s1 =	sld [smem:$0x3F93];
	s0 =	simm.s32 @p0 $0x1  }
0x13: {  	[smem:$0x3FAE] =	sst s0;
	s0 =	simm.s32 @!p1 $0x0  }
0x14: {  	s2 =	sld [smem:$0x3F92];
	s0 =	simm.s32 @p1 $0x1  }
0x15: {  	[smem:$0x3FAF] =	sst s0;
	s0 =	simm.s32 @!p2 $0x0  }
0x16: {  	s3 =	sld [smem:$0x3FDB];
	s0 =	simm.s32 @p2 $0x1  }
0x17: {  	s4 =	simm.s32 $0x1BF5;
	[smem:$0x3FB1] =	sst s0  }
0x18: {  	s0 =	sld [smem:$0x3F94];
	_ =	swait.ge [sflag:s4], $0x0  }
0x19: {  	s7 =	sld [smem:$0x3F95]  }
0x1a: {  	s8 =	sadd.s32 $0xFFFFE003, lr  }
0x1b: {  	s9 =	sadd.s32 $0xFFFFFEF7, lr;
	s5 =	simm.s32 $0xFFFFFFFF;
	p2 =	slt.u32 s8, $0xFFFFF086  }
0x1c: {  	p1 =	slt.u32 s9, $0xF7A;
	s5 =	simm.s32 @!p2 $0x0  }
0x1d: {  	s5 =	simm.s32 @p1 $0x1;
	p0 =	seq.s32 s7, s2  }
0x1e: {  	s7 =	smul.u32 @!p0 $0xF7A, s2;
	p2 =	seq.s32 @!p0 s5, $0x0  }
0x1f: {  	s9 =	smul.u32 $0xF7A, s1;
	s8 =	simm.s32 @!p0 $0x1BF5;
	p2 =	por !p2, p0  }
0x20: {  	[sflag:s8] =	ssyncset.s32 @!p0 $0xFFFFF086;
	s6 =	sadd.s32 @!p0 s3, s7;
	s7 =	simm.s32 @!p0 $0x108  }
0x21: {  	s3 =	sadd.s32 s3, s9;
	s6 =	sadd.s32 @!p0 $0x88, s6;
	s7 =	simm.s32 @p2 $0x1082  }
0x22: {  	[simem:s7], [sflag:s8] =	dma.local @!p0 [hbm:s6], $0xF7A  }
0x23: {  	s9 =	sor.u32 $0xD0000000, s2;
	s6 =	simm.s32 $0x108;
	_ =	swait.ge @!p0 [sflag:s8], $0x0  }
0x24: {  	s3 =	sadd.s32 $0x88, s3;
	s6 =	simm.s32 @!p1 $0x1082;
	[sflag:s4] =	ssyncset.s32 $0xFFFFF086  }
0x25: {  	[simem:s6], [sflag:s4] =	dma.local [hbm:s3], $0xF7A  }
0x26: {  	[smem:$0x3F95] =	sst s1;
	(tag) =	ssettag s2;
	_ =	strace s9  }
0x27: {  	s1 =	sld [smem:$0x3FA5]  }
0x28: {  	s2 =	sld [smem:$0x3FA6]  }
0x29: {  	s4 =	sld [smem:$0x3FA8]  }
0x2a: {  	p0 =	seq.s32 s5, $0x0;
	s5 =	sld [smem:$0x3FA9]  }
0x2b: {  	s6 =	sld [smem:$0x3FAA]  }
0x2c: {  	s7 =	sld [smem:$0x3FAB]  }
0x2d: {  	s3 =	simm.s32 $0x108;
	s8 =	sld [smem:$0x3FAC]  }
0x2e: {  	s3 =	simm.s32 @!p0 $0x1082;
	s9 =	sld [smem:$0x3FAD]  }
0x2f: {  	lr =	sadd.s32 s0, s3;
	s0 =	sld [smem:$0x3FA4]  }
0x30: {  	s3 =	sld [smem:$0x3FA7]  }
0x31: {  	[smem:$0x3FB0] =	sst s10  }
0x32: {  	s10 =	sld [smem:$0x3FAE];
	_ =	sdelay $0x3  }
0x33: {  	p0 =	seq.s32 s10, $0x1;
	s10 =	sld [smem:$0x3FB0];
	_ =	sdelay $0x3  }
0x34: {  	[smem:$0x3FB0] =	sst s10  }
0x35: {  	s10 =	sld [smem:$0x3FAF];
	_ =	sdelay $0x3  }
0x36: {  	p1 =	seq.s32 s10, $0x1;
	s10 =	sld [smem:$0x3FB0];
	_ =	sdelay $0x3  }
0x37: {  	[smem:$0x3FB0] =	sst s10  }
0x38: {  	s10 =	sld [smem:$0x3FB1]  }
0x39: {  	_ = 	snop;
	(pc) =	sbr.ind lr, $3  }
0x3a: {  	_ = 	snop  }
0x3b: {  	_ = 	snop  }
0x3c: {  	p2 =	seq.s32 s10, $0x1;
	s10 =	sld [smem:$0x3FB0]  }
0x3d: {  	_ =	shalt  }
0x3e: {  	_ =	shalt  }
0x3f: {  	_ =	shalt  }
0x40: {  	_ =	shalt  }
0x41: {  	_ =	shalt  }
0x42: {  	_ =	shalt  }
0x43: {  	_ =	shalt  }
0x44: {  	_ =	shalt  }
0x45: {  	_ =	shalt  }
0x46: {  	_ =	shalt  }
0x47: {  	_ =	shalt  }
0x48: {  	_ =	shalt  }
0x49: {  	_ =	shalt  }
0x4a: {  	_ =	shalt  }
0x4b: {  	_ =	shalt  }
0x4c: {  	_ =	shalt  }
0x4d: {  	_ =	shalt  }
0x4e: {  	_ =	shalt  }
0x4f: {  	_ =	shalt  }
0x50: {  	_ =	shalt  }
0x51: {  	_ =	shalt  }
0x52: {  	_ =	shalt  }
0x53: {  	_ =	shalt  }
0x54: {  	_ =	shalt  }
0x55: {  	_ =	shalt  }
0x56: {  	_ =	shalt  }
0x57: {  	_ =	shalt  }
0x58: {  	_ =	shalt  }
0x59: {  	_ =	shalt  }
0x5a: {  	_ =	shalt  }
0x5b: {  	_ =	shalt  }
0x5c: {  	_ =	shalt  }
0x5d: {  	_ =	shalt  }
0x5e: {  	_ =	shalt  }
0x5f: {  	_ =	shalt  }
0x60: {  	_ =	shalt  }
0x61: {  	_ =	shalt  }
0x62: {  	_ =	shalt  }
0x63: {  	_ =	shalt  }
0x64: {  	_ =	shalt  }
0x65: {  	_ =	shalt  }
0x66: {  	_ =	shalt  }
0x67: {  	_ =	shalt  }
0x68: {  	_ =	shalt  }
0x69: {  	_ =	shalt  }
0x6a: {  	_ =	shalt  }
0x6b: {  	_ =	shalt  }
0x6c: {  	_ =	shalt  }
0x6d: {  	_ =	shalt  }
0x6e: {  	_ =	shalt  }
0x6f: {  	_ =	shalt  }
0x70: {  	_ =	shalt  }
0x71: {  	_ =	shalt  }
0x72: {  	_ =	shalt  }
0x73: {  	_ =	shalt  }
0x74: {  	_ =	shalt  }
0x75: {  	_ =	shalt  }
0x76: {  	_ =	shalt  }
0x77: {  	_ =	shalt  }
0x78: {  	_ =	shalt  }
0x79: {  	_ =	shalt  }
0x7a: {  	_ =	shalt  }
0x7b: {  	_ =	shalt  }
0x7c: {  	_ =	shalt  }
0x7d: {  	_ =	shalt  }
0x7e: {  	_ =	shalt  }
0x7f: {  	_ =	shalt  }
0x80: {  	_ =	shalt  }
0x81: {  	_ =	shalt  }
0x82: {  	_ =	shalt  }
0x83: {  	_ =	shalt  }
0x84: {  	_ =	shalt  }
0x85: {  	_ =	shalt  }
0x86: {  	_ =	shalt  }
0x87: {  	_ =	shalt  }
.Lfunc_end0:
.L_simem_size_0:
called_computation_lowered:
.L_overlay_start_0:
0x88: {  	s2 =	sld [smem:$0x3FD9]  }
0x89: {  	s3 =	sld [smem:$0x3FFE];
	_ =	sdelay $0x1  }
0x8a: {  	s1 =	srdreg.scid  }
0x8b: {  	s0 =	sand.u32 $0x1, s1  }
0x8c: {  	s16 =	sshll.u32 s0, $0xA;
	s2 =	sadd.s32 s3, s2  }
0x8d: {  	s2 =	sadd.s32 s2, s16  }
0x8e: {  	[smem:$0x3FBC] =	sst s2  }
0x8f: {  	_ = 	snop  }
0x90: {  	(tm) =	ssettm $0x1  }
0x91: {  	s17 =	sld [smem:$0x3FFB];
	_ =	sdelay $0x3  }
0x92: {  	_ =	strace s17  }
0x93: {  	s2 =	sld [smem:$0x3FFC];
	_ =	sdelay $0x3  }
0x94: {  	_ =	strace s2  }
0x95: {  	s2 =	sld [smem:$0x3FFD];
	_ =	sdelay $0x3  }
0x96: {  	_ =	strace s2  }
0x97: {  	_ =	strace $0x8FFFFFFF  }
0x98: {  	s18 =	sld [smem:$0x3FDB];
	_ =	sdelay $0x1  }
0x99: {  	s19 =	simm.s32 $_scs_section_size  }
0x9a: {  	s4 =	simm.s32 $_size__tile_overlayer_lowered;
	s5 =	simm.s32 $_tile_overlayer_lowered  }
0x9b: {  	s22 =	simm.s32 $0x1BFF;
	s21 =	sshll.u32 s5, $0x1;
	s2 =	sadd.s32 s19, s18  }
0x9c: {  	s6 =	simm.s32 $0x0;
	s20 =	sshll.u32 s4, $0x1;
	s4 =	sadd.s32 s21, s2  }
0x9d: {  	[timem:s6], [sflag:s22] =	dma.local [hbm:s4], s20  }
0x9e: {  	_ =	swait.ge [sflag:s22], s20  }
0x9f: {  	s3 =	ssub.s32 $0x0, s20;
	[sflag:s22] =	ssyncset.done $0x0  }
0xa0: {  	[sflag:s22] =	ssyncadd.s32 s3;
	_ =	sdelay $0x1  }
0xa1: {  	s23 =	simm.s32 $0x1B8B  }
0xa2: {  	_ =	swait.ge [sflag:s23], $0x1  }
0xa3: {  	[sflag:s23] =	ssyncset.done $0x0  }
0xa4: {  	s25 =	simm.s32 $0x1B8E;
	s24 =	sld [smem:$0x3FFE];
	[sflag:s23] =	ssyncadd.s32 $0xFFFFFFFF  }
0xa5: {  	s26 =	simm.s32 $execute0_lowered;
	[smem:$0x3FD2] =	sst s25  }
0xa6: {  	s4 =	sshll.u32 s26, $0x1;
	_ =	strace $0x80000046;
	[dreg:$0x1] =	wrdreg $0xFFFFFFFF  }
0xa7: {  	s28 =	simm.s32 $_size_execute0_lowered;
	s2 =	sadd.s32 s2, s4;
	[dreg:$0x0] =	wrdreg $0x0  }
0xa8: {  	s4 =	sshll.u32 s28, $0x1;
	[dreg:$0x2] =	wrdreg s2  }
0xa9: {  	[dreg:$0x3] =	wrdreg s4  }
0xaa: {  	[dreg:$0x4] =	wrdreg $0xC0  }
0xab: {  	_ =	task [dreg:s6], $0x5FFFF  }
0xac: {  	[dreg:$0x1] =	wrdreg $0xFFFFFFFF  }
0xad: {  	[dreg:$0x0] =	wrdreg $0x60  }
0xae: {  	[dreg:$0x2] =	wrdreg s24  }
0xaf: {  	[dreg:$0x3] =	wrdreg $0x58000  }
0xb0: {  	[dreg:$0x4] =	wrdreg $0x80000  }
0xb1: {  	[dreg:$0x5] =	wrdreg $0x9  }
0xb2: {  	_ =	task.clear_ibuf [dreg:s6], $0x6FFFF;
	_ =	strace $0x90000046  }
0xb3: {  	s29 =	simm.s32 $0x9;
	_ =	strace $0x80000048  }
0xb4: {  	_ =	swait.ge [sflag:s29], $0x1  }
0xb5: {  	[sflag:s29] =	ssyncadd.s32 $0xFFFFFFFF  }
0xb6: {  	_ =	strace $0x90000048  }
0xb7: {  	_ =	sfence  }
0xb8: {  	s30 =	sld [smem:$0x0];
	_ =	sdelay $0x2  }
0xb9: {  	s31 =	sshll.u32 s1, $0xD;
	s1 =	sshrl.u32 s1, $0x2  }
0xba: {  	s3 =	sand.u32 $0x4000, s31;
	s1 =	sadd.s32 s1, s30  }
0xbb: {  	s0 =	sor.u32 s3, s0;
	s1 =	sshll.u32 s1, $0x11  }
0xbc: {  	s0 =	sor.u32 s1, s0  }
0xbd: {  	s0 =	sadd.s32 $0x8F2B, s0  }
0xbe: {  	[sflag:s0] =	ssyncadd.remote.s32 $0x1  }
0xbf: {  	_ =	sfence.sel $0xFFFF  }
0xc0: {  	[dreg:$0x0] =	wrdreg $0xFFFFFFFF;
	(pc) =	sbr.abs _section_cstart, $3  }
0xc1: {  	[dreg:$0x1] =	wrdreg $0xFFFFFFFF  }
0xc2: {  	_ =	task.clear_ibuf [dreg:s6], $0x2FFFF;
	_ =	strace $0x9FFFFFFF  }
0xc3: {  	(tm) =	ssettm $0x7FFFFFFF  }
tec
execute0_lowered:
.L_overlay_start_1:
0x0: {  	(tag) =	ssettag $0x1  }
0x1: {  	s1 =	srdreg.scid;
	s7 =	rddreg [dreg:$0x0]  }
0x2: {  	s0 =	stileid.u32;
	s2 =	rddreg [dreg:$0x1]  }
0x3: {  	s3 =	rddreg [dreg:$0x2];
	s4 =	simm.s32 $0x0;
	s14 =	simm.s32 $0x5000  }
0x4: {  	s18 =	simm.s32 $0x80;
	s19 =	simm.s32 $0x0;
	s6 =	sand.u32 $0x1, s1  }
0x5: {  	s31 =	sshll.u32 s0, $0x1;
	s9 =	smul.u32 $0x2800, s0;
	[smem:$0x7FF] =	sst s4  }
0x6: {  	s15 =	sshll.u32 s0, $0x6;
	s1 =	sor.u32 s6, s31;
	s8 =	smul.u32 $0x50000, s6  }
0x7: {  	s11 =	ssub.s32 $0x2, s6;
	s6 =	sadd.s32 $0x20200, s7;
	s15 =	sor.u32 $0x1C01, s15  }
0x8: {  	s5 =	smul.u32 $0x500, s1;
	s1 =	rddreg [dreg:$0x3];
	_ =	strace $0x80000047  }
0x9: {  	s12 =	sshrl.u32 s11, $0x1;
	s16 =	sadd.s32 s9, s2;
	s17 =	sadd.s32 s9, s3  }
0xa: {  	s8 =	sadd.s32 s9, s8;
	s11 =	ssub.s32 s11, s12;
	s12 =	simm.s32 $0x1  }
0xb: {  	s16 =	sshrl.u32 s16, $0x3;
	s17 =	sshrl.u32 s17, $0x3;
	s10 =	sadd.s32 s5, s7  }
0xc: {  	s5 =	sadd.s32 $0x20800, s7;
	s8 =	sshrl.u32 s8, $0x3;
	s11 =	smax.u32 s11, $0x1  }
0xd: {  	s13 =	sadd.s32 s8, s7;
	s7 =	sadd.s32 $0x2200, s10;
	s8 =	sadd.s32 $0x16200, s10  }
0xe: {  	s9 =	sadd.s32 $0x20A00, s13;
	s10 =	sadd.s32 $0x25A00, s13;
	s13 =	simm.s32 $0x2800  }
.LBB2_1:
0xf: {  	[tilespmem:s4], [sflag:$0x1] =	stream.linear.gather [hbm4b:s7+s4], $0x2800, $0x38;
	[tilespmem:$0xA800] =	vst v63  }
0x10: {  	_ =	swait.ge [sflag:s12], $0x2800  }
0x11: {  	[sflag:s12] =	ssyncset.done $0x0  }
0x12: {  	[sflag:s12] =	ssyncadd.s32 $0xFFFFD800  }
0x13: {  	[tilespmem:s13], [sflag:$0x1] =	stream.linear.gather [hbm4b:s8+s4], $0x2800, $0x38;
	[tilespmem:$0xA800] =	vst v63  }
0x14: {  	_ =	swait.ge [sflag:s12], $0x2800  }
0x15: {  	[sflag:s12] =	ssyncset.done $0x0  }
0x16: {  	[sflag:s12] =	ssyncadd.s32 $0xFFFFD800  }
0x17: {  	[tilespmem:s14], [sflag:$0x1] =	stream.linear.gather [hbm4b:s5+s4], $0x800, $0x38;
	[tilespmem:$0xA800] =	vst v63  }
0x18: {  	_ =	swait.ge [sflag:s12], $0x800  }
0x19: {  	[sflag:s12] =	ssyncset.done $0x0  }
0x1a: {  	[sflag:s12] =	ssyncadd.s32 $0xFFFFF800  }
0x1b: {  	[spmem:s16], [sflag:s15] =	dma.local [hbm:s6], $0x500  }
0x1c: {  	_ =	swait.ge [sflag:s12], $0x500  }
0x1d: {  	[sflag:s12] =	ssyncset.done $0x0  }
0x1e: {  	[sflag:s12] =	ssyncadd.s32 $0xFFFFFB00  }
0x1f: {  	[spmem:s17], [sflag:s15] =	dma.local [hbm:s6], $0x500  }
0x20: {  	_ =	swait.ge [sflag:s12], $0x500  }
0x21: {  	[sflag:s12] =	ssyncset.done $0x0  }
0x22: {  	[sflag:s12] =	ssyncadd.s32 $0xFFFFFB00  }
0x23: {  	s20 =	simm.s32 $0x0;
	[bflag:$0x0] =	sbarrier.arrive $0xFFFF  }
0x24: {  	[spmem:s2] =	stream.indirect.scatter.add.f32 [tilespmem:s14], [sflag:$0x1], $0x10, s20, s18, $0xb8;
	[tilespmem:$0xA800] =	vst v63  }
0x25: {  	_ =	swait.ge [sflag:s12], $0x800  }
0x26: {  	[sflag:s12] =	ssyncset.done $0x0  }
0x27: {  	s31 =	simm.s32 $0x2800;
	[sflag:s12] =	ssyncadd.s32 $0xFFFFF800  }
0x28: {  	[spmem:s3] =	stream.indirect.scatter.add.f32 [tilespmem:s14], [sflag:$0x1], $0x10, s31, s18, $0xb8;
	[tilespmem:$0xA800] =	vst v63  }
0x29: {  	_ =	swait.ge [sflag:s12], $0x800  }
0x2a: {  	s21 =	simm.s32 $0x400;
	s20 =	simm.s32 $0x200;
	[sflag:s12] =	ssyncset.done $0x0  }
.LBB2_2:
0x2b: {  	s22 =	sshra.s32 s20, $0x2  }
0x2c: {  	[sflag:s12] =	ssyncadd.s32 $0xFFFFF800;
	s20 =	smov.u32 s21;
	s23 =	sadd.s32 $0x200, s21  }
0x2d: {  	[spmem:s2] =	stream.indirect.scatter.add.f32 [tilespmem:s14], [sflag:$0x1], $0x10, s22, s18, $0xb8;
	[tilespmem:$0xA800] =	vst v63  }
0x2e: {  	p0 =	sne.s32 s21, $0x9E00;
	_ =	swait.ge [sflag:s12], $0x800  }
.Ltmp0:
0x2f: {  	[sflag:s12] =	ssyncset.done $0x0;
	(pc) =	sbr.rel @p0 .LBB2_2-.Ltmp0, $4  }
0x30: {  	s21 =	sadd.s32 $0x2800, s22;
	[sflag:s12] =	ssyncadd.s32 $0xFFFFF800  }
0x31: {  	[spmem:s3] =	stream.indirect.scatter.add.f32 [tilespmem:s14], [sflag:$0x1], $0x10, s21, s18, $0xb8;
	[tilespmem:$0xA800] =	vst v63  }
0x32: {  	_ =	swait.ge [sflag:s12], $0x800  }
0x33: {  	s21 =	smov.u32 s23;
	[sflag:s12] =	ssyncset.done $0x0  }
0x34: {  	s20 =	sshra.s32 s20, $0x2;
	[sflag:s12] =	ssyncadd.s32 $0xFFFFF800  }
0x35: {  	[spmem:s2] =	stream.indirect.scatter.add.f32 [tilespmem:s14], [sflag:$0x1], $0x10, s20, s18, $0xb8;
	[tilespmem:$0xA800] =	vst v63  }
0x36: {  	_ =	swait.ge [sflag:s12], $0x800  }
0x37: {  	[sflag:s12] =	ssyncset.done $0x0  }
0x38: {  	s20 =	sadd.s32 $0x2800, s20;
	[sflag:s12] =	ssyncadd.s32 $0xFFFFF800  }
0x39: {  	[spmem:s3] =	stream.indirect.scatter.add.f32 [tilespmem:s14], [sflag:$0x1], $0x10, s20, s18, $0xb8;
	[tilespmem:$0xA800] =	vst v63  }
0x3a: {  	_ =	swait.ge [sflag:s12], $0x800  }
0x3b: {  	[sflag:s12] =	ssyncset.done $0x0  }
0x3c: {  	[sflag:s12] =	ssyncadd.s32 $0xFFFFF800  }
0x3d: {  	[bflag:$0x0] =	sbarrier.arrive $0xFFFF  }
0x3e: {  	[hbm:s9], [sflag:s15] =	dma.local [spmem:s16], $0x500  }
0x3f: {  	s19 =	sadd.s32 $0x1, s19;
	_ =	swait.ge [sflag:s12], $0x500  }
0x40: {  	p0 =	sne.s32 s19, s11;
	[sflag:s12] =	ssyncset.done $0x0  }
.Ltmp1:
0x41: {  	[sflag:s12] =	ssyncadd.s32 $0xFFFFFB00;
	(pc) =	sbr.rel @p0 .LBB2_1-.Ltmp1, $4  }
0x42: {  	[hbm:s10], [sflag:s15] =	dma.local [spmem:s17], $0x500  }
0x43: {  	_ =	swait.ge [sflag:s12], $0x500  }
0x44: {  	[sflag:s12] =	ssyncset.done $0x0  }
0x45: {  	[sflag:s12] =	ssyncadd.s32 $0xFFFFFB00  }
0x46: {  	_ =	sfence.sel $0x180000  }
0x47: {  	[bflag:$0x0] =	sbarrier.arrive $0xFFFF  }
0x48: {  	p0 =	sne.s32 s0, $0x0;
	_ =	strace $0x90000047  }
0x49: {  	s0 =	sadd.s32 @!p0 $0x100000, s1;
	[bflag:$0x2] =	sbarrier.arrive $0xFFFF  }
0x4a: {  	[sflag:s0] =	ssyncadd.tile.s32 @!p0 $0x1;
	_ =	shalt  }
.Lfunc_end2:
_tile_overlayer_lowered:
.L_overlay_start_2:
0x4b: {  	(tag) =	ssettag $0x2  }
0x4c: {  	s0 =	rddreg [dreg:$0x0];
	s2 =	stileid.u32  }
0x4d: {  	s1 =	rddreg [dreg:$0x1];
	p0 =	sne.s32 s2, $0x0  }
0x4e: {  	s3 =	rddreg [dreg:$0x2];
	[bflag:$0x3] =	sbarrier.arrive $0xFFFF;
	s2 =	simm.s32 @!p0 $0x1C01  }
0x4f: {  	[timem:s3], [sflag:s2] =	dma.local @!p0 [hbm:s0], s1  }
0x50: {  	s0 =	simm.s32 @!p0 $0x1  }
0x51: {  	_ =	swait.ge @!p0 [sflag:s0], s1  }
0x52: {  	s1 =	ssub.s32 @!p0 $0x0, s1;
	[sflag:s0] =	ssyncset.done @!p0 $0x0  }
0x53: {  	[sflag:s0] =	ssyncadd.s32 @!p0 s1  }
0x54: {  	[bflag:$0x3] =	sbarrier.arrive $0xFFFF  }
0x55: {  	_ =	shalt  }

</sc_bundles>
